<compile_context>
chip_gen: v7x
topology: tpu7x:2x2x1
jax: 0.10.2.dev20260603
libtpu: 0.0.44.dev20260713+nightly
codegen_flags: <defaults>
</compile_context>

<pallas_src>
import jax
import jax.numpy as jnp
from jax import lax
from jax.experimental import pallas as pl
from jax.experimental.pallas import tpu as pltpu
from jax.experimental.pallas import tpu_sc as plsc

B, H, W, C = 4, 32, 32, 384
NH, NP = 12, 4
HD = C // NH
FF = 2048
N = H * W
NJ = NP * 4
NL = NH * NJ
M_TOT = B * N * NL

NWORK = 32
M_W = M_TOT // NWORK
CH = 3072
KSUB = CH // 128
NCHUNK = M_W // CH


def _prep_body(q_ref, Wv_ref, bv_ref, Wso_ref, bso_ref, Waw_ref, baw_ref,
               val_ref, idx_ref, wgt_ref):
    b = pl.program_id(0)
    q = q_ref[0]
    value = jnp.dot(q, Wv_ref[...], preferred_element_type=jnp.float32) + bv_ref[...]
    val_ref[0] = value
    off = jnp.dot(q, Wso_ref[...], preferred_element_type=jnp.float32) + bso_ref[...]
    awl = jnp.dot(q, Waw_ref[...], preferred_element_type=jnp.float32) + baw_ref[...]

    m = jnp.max(awl, axis=-1, keepdims=True)
    e = jnp.exp(awl - m)
    i48r = lax.broadcasted_iota(jnp.int32, (NH * NP, NH * NP), 0)
    i48c = lax.broadcasted_iota(jnp.int32, (NH * NP, NH * NP), 1)
    gsum = (i48r // NP == i48c // NP).astype(jnp.float32)
    denom = jnp.dot(e, gsum, preferred_element_type=jnp.float32)
    awn = e / denom

    n_row = lax.broadcasted_iota(jnp.int32, (N, 1), 0)
    colf = (n_row % W).astype(jnp.float32)
    rowf = (n_row // W).astype(jnp.float32)
    l96 = lax.broadcasted_iota(jnp.int32, (1, 2 * NH * NP), 1)
    is_x = (l96 % 2) == 0
    pix = off + jnp.where(is_x, colf, rowf)
    f0 = jnp.floor(pix)
    frac = pix - f0

    p96r = lax.broadcasted_iota(jnp.int32, (2 * NH * NP, NL), 0)
    p96c = lax.broadcasted_iota(jnp.int32, (2 * NH * NP, NL), 1)
    src = (p96c // NJ) * 8 + ((p96c % NJ) // 4) * 2
    Px = (p96r == src).astype(jnp.float32)
    Py = (p96r == src + 1).astype(jnp.float32)
    x0 = jnp.dot(f0, Px, preferred_element_type=jnp.float32)
    y0 = jnp.dot(f0, Py, preferred_element_type=jnp.float32)
    fx = jnp.dot(frac, Px, preferred_element_type=jnp.float32)
    fy = jnp.dot(frac, Py, preferred_element_type=jnp.float32)

    a48r = lax.broadcasted_iota(jnp.int32, (NH * NP, NL), 0)
    a48c = lax.broadcasted_iota(jnp.int32, (NH * NP, NL), 1)
    Paw = (a48r == a48c // 4).astype(jnp.float32)
    awe = jnp.dot(awn, Paw, preferred_element_type=jnp.float32)

    l192 = lax.broadcasted_iota(jnp.int32, (1, NL), 1)
    dxv = ((l192 % 4) % 2).astype(jnp.float32)
    dyv = ((l192 % 4) // 2).astype(jnp.float32)
    hl = l192 // NJ
    xi = x0 + dxv
    yi = y0 + dyv
    valid = ((xi >= 0.0) & (xi < float(W)) & (yi >= 0.0) & (yi < float(H)))
    xc = jnp.clip(xi, 0.0, float(W - 1)).astype(jnp.int32)
    yc = jnp.clip(yi, 0.0, float(H - 1)).astype(jnp.int32)
    idx_ref[0] = ((b * H + yc) * W + xc) * NH + hl
    wx = jnp.where(dxv == 0.0, 1.0 - fx, fx)
    wy = jnp.where(dyv == 0.0, 1.0 - fy, fy)
    wgt_ref[0] = awe * wx * wy * jnp.where(valid, 1.0, 0.0)


def _sc_gather_body(table_ref, idx_ref, g_ref, idx_v, rows_v, sem):
    wid = lax.axis_index("s") * 2 + lax.axis_index("c")
    base = wid * M_W

    def chunk(i, carry):
        cbase = base + i * CH
        pltpu.sync_copy(idx_ref.at[pl.ds(pl.multiple_of(cbase // 128, 8), KSUB)],
                        idx_v)
        copies = [
            pltpu.make_async_copy(table_ref.at[idx_v.at[k]],
                                  rows_v.at[pl.ds(k * 128, 128)], sem)
            for k in range(KSUB)
        ]
        for cp in copies:
            cp.start()
        for cp in copies:
            cp.wait()
        pltpu.sync_copy(rows_v, g_ref.at[pl.ds(cbase, CH)])
        return carry

    lax.fori_loop(0, NCHUNK, chunk, 0)


def _ln(x, g, b):
    m = jnp.mean(x, axis=-1, keepdims=True)
    xc = x - m
    v = jnp.mean(xc * xc, axis=-1, keepdims=True)
    return xc * lax.rsqrt(v + 1e-5) * g + b


def _reduce_ffn_body(g_ref, w_ref, q_ref, Wo_ref, bo_ref, W1_ref, b1_ref,
                     W2_ref, b2_ref, g1_ref, be1_ref, g2_ref, be2_ref, out_ref):
    q = q_ref[0]
    g = g_ref[0]
    w = w_ref[0]
    er = lax.broadcasted_iota(jnp.int32, (NJ, NJ * HD), 0)
    ec = lax.broadcasted_iota(jnp.int32, (NJ, NJ * HD), 1)
    E16 = (er == ec // HD).astype(jnp.float32)
    sr = lax.broadcasted_iota(jnp.int32, (NJ * HD, HD), 0)
    sc = lax.broadcasted_iota(jnp.int32, (NJ * HD, HD), 1)
    S512 = (sr % HD == sc).astype(jnp.float32)
    parts = []
    for h in range(NH):
        wh = w[:, h * NJ:(h + 1) * NJ]
        gh = g[:, h * NJ * HD:(h + 1) * NJ * HD]
        wE = jnp.dot(wh, E16, preferred_element_type=jnp.float32)
        parts.append(jnp.dot(wE * gh, S512,
                             preferred_element_type=jnp.float32))
    attn = jnp.concatenate(parts, axis=1)
    src2 = jnp.dot(attn, Wo_ref[...], preferred_element_type=jnp.float32) + bo_ref[...]
    h1 = _ln(q + src2, g1_ref[...], be1_ref[...])
    f = jnp.maximum(jnp.dot(h1, W1_ref[...], preferred_element_type=jnp.float32)
                    + b1_ref[...], 0.0)
    ff = jnp.dot(f, W2_ref[...], preferred_element_type=jnp.float32) + b2_ref[...]
    out_ref[0] = _ln(h1 + ff, g2_ref[...], be2_ref[...])


def kernel(src, Wso, bso, Waw, baw, Wv, bv, Wo, bo, W1, b1, W2, b2, g1, be1, g2, be2):
    q3 = src.reshape(B, N, C)

    full = lambda shape: pl.BlockSpec(shape, lambda *a: (0,) * len(shape))
    value, idx, wgt = pl.pallas_call(
        _prep_body,
        grid=(B,),
        in_specs=[
            pl.BlockSpec((1, N, C), lambda b: (b, 0, 0)),
            full((C, C)), full((1, C)),
            full((C, NH * NP * 2)), full((1, NH * NP * 2)),
            full((C, NH * NP)), full((1, NH * NP)),
        ],
        out_specs=[
            pl.BlockSpec((1, N, C), lambda b: (b, 0, 0)),
            pl.BlockSpec((1, N, NL), lambda b: (b, 0, 0)),
            pl.BlockSpec((1, N, NL), lambda b: (b, 0, 0)),
        ],
        out_shape=[
            jax.ShapeDtypeStruct((B, N, C), jnp.float32),
            jax.ShapeDtypeStruct((B, N, NL), jnp.int32),
            jax.ShapeDtypeStruct((B, N, NL), jnp.float32),
        ],
    )(q3, Wv, bv.reshape(1, C), Wso, bso.reshape(1, -1), Waw, baw.reshape(1, -1))

    table = value.reshape(B * N * NH, HD)
    idx2 = idx.reshape(M_TOT // 128, 128)

    sc_gather = pl.kernel(
        _sc_gather_body,
        out_type=jax.ShapeDtypeStruct((M_TOT, HD), jnp.float32),
        mesh=plsc.VectorSubcoreMesh(core_axis_name="c", subcore_axis_name="s",
                                    num_cores=2, num_subcores=16),
        scratch_types=[
            pltpu.VMEM((KSUB, 128), jnp.int32),
            pltpu.VMEM((CH, HD), jnp.float32),
            pltpu.SemaphoreType.DMA,
        ],
        compiler_params=pltpu.CompilerParams(use_tc_tiling_on_sc=False),
    )
    g = sc_gather(table, idx2)

    g3 = g.reshape(B, N, NL * HD)

    RB = 512
    out = pl.pallas_call(
        _reduce_ffn_body,
        grid=(B, N // RB),
        in_specs=[
            pl.BlockSpec((1, RB, NL * HD), lambda b, i: (b, i, 0)),
            pl.BlockSpec((1, RB, NL), lambda b, i: (b, i, 0)),
            pl.BlockSpec((1, RB, C), lambda b, i: (b, i, 0)),
            full((C, C)), full((1, C)),
            full((C, FF)), full((1, FF)),
            full((FF, C)), full((1, C)),
            full((1, C)), full((1, C)), full((1, C)), full((1, C)),
        ],
        out_specs=pl.BlockSpec((1, RB, C), lambda b, i: (b, i, 0)),
        out_shape=jax.ShapeDtypeStruct((B, N, C), jnp.float32),
    )(g3, wgt, q3, Wo, bo.reshape(1, C), W1, b1.reshape(1, FF), W2,
      b2.reshape(1, C), g1.reshape(1, C), be1.reshape(1, C), g2.reshape(1, C),
      be2.reshape(1, C))
    return out

# --- scband reference (transcript-rebuilt; emitter-appended) ---
"""Pipeline reference for scband-deformable-transformer-encoder-layer-7541962572418 (READ-ONLY COPY).

The authoritative reference and input builder live on the scoring server;
editing this copy changes nothing except your own understanding.
"""

import jax, jax.numpy as jnp
import numpy as np

B, H, W, C = 4, 32, 32, 384
NH, NP = 12, 4
HD = C // NH
FF = 2048
N = H * W

def setup_inputs(seed: int = 0):
    key = jax.random.key(seed)
    ks = jax.random.split(key, 12)
    def rn(k, shape, s=0.02):
        return jax.random.normal(k, shape, jnp.float32) * s
    return {
        "src": jax.random.normal(ks[0], (B, H, W, C), jnp.float32),
        "Wso": rn(ks[1], (C, NH * NP * 2), 0.01),
        "bso": rn(ks[2], (NH * NP * 2,), 0.5),
        "Waw": rn(ks[3], (C, NH * NP)),
        "baw": jnp.zeros((NH * NP,), jnp.float32),
        "Wv": rn(ks[4], (C, C)),
        "bv": jnp.zeros((C,), jnp.float32),
        "Wo": rn(ks[5], (C, C)),
        "bo": jnp.zeros((C,), jnp.float32),
        "W1": rn(ks[6], (C, FF)),
        "b1": jnp.zeros((FF,), jnp.float32),
        "W2": rn(ks[7], (FF, C)),
        "b2": jnp.zeros((C,), jnp.float32),
        "g1": jnp.ones((C,), jnp.float32),
        "be1": jnp.zeros((C,), jnp.float32),
        "g2": jnp.ones((C,), jnp.float32),
        "be2": jnp.zeros((C,), jnp.float32),
    }

def _layer_norm(x, g, b):
    m = jnp.mean(x, axis=-1, keepdims=True)
    v = jnp.mean((x - m) ** 2, axis=-1, keepdims=True)
    return (x - m) / jnp.sqrt(v + 1e-5) * g + b

def _bilinear_sample(value, loc):
    # value: [B, N, NH, HD] laid out on HxW grid; loc: [B, N, NH, NP, 2] in [0,1]
    v = value.reshape(B * H * W * NH, HD)
    x = loc[..., 0] * W - 0.5
    y = loc[..., 1] * H - 0.5
    x0 = jnp.floor(x)
    y0 = jnp.floor(y)
    wx1 = x - x0
    wy1 = y - y0
    b_idx = jnp.arange(B).reshape(B, 1, 1, 1)
    h_idx = jnp.arange(NH).reshape(1, 1, NH, 1)
    def gather(xi, yi):
        valid = ((xi >= 0) & (xi < W) & (yi >= 0) & (yi < H)).astype(value.dtype)
        xc = jnp.clip(xi, 0, W - 1).astype(jnp.int32)
        yc = jnp.clip(yi, 0, H - 1).astype(jnp.int32)
        flat = ((b_idx * H + yc) * W + xc) * NH + h_idx
        return v[flat] * valid[..., None]
    out = (gather(x0, y0) * ((1 - wx1) * (1 - wy1))[..., None]
           + gather(x0 + 1, y0) * (wx1 * (1 - wy1))[..., None]
           + gather(x0, y0 + 1) * ((1 - wx1) * wy1)[..., None]
           + gather(x0 + 1, y0 + 1) * (wx1 * wy1)[..., None])
    return out

def reference(src, Wso, bso, Waw, baw, Wv, bv, Wo, bo, W1, b1, W2, b2, g1, be1, g2, be2):
    q = src.reshape(B, N, C)
    ry, rx = jnp.meshgrid(jnp.linspace(0.5, H - 0.5, H), jnp.linspace(0.5, W - 0.5, W), indexing='ij')
    ref = jnp.stack([rx / W, ry / H], -1).reshape(1, N, 1, 1, 2)
    value = (q @ Wv + bv).reshape(B, N, NH, HD)
    off = (q @ Wso + bso).reshape(B, N, NH, NP, 2)
    aw = jax.nn.softmax((q @ Waw + baw).reshape(B, N, NH, NP), axis=-1)
    loc = ref + off / jnp.array([W, H], jnp.float32)
    sampled = _bilinear_sample(value, loc)
    attn = (sampled * aw[..., None]).sum(axis=3).reshape(B, N, C)
    src2 = attn @ Wo + bo
    h1 = _layer_norm(q + src2, g1, be1)
    ff = jnp.maximum(h1 @ W1 + b1, 0.0) @ W2 + b2
    out = _layer_norm(h1 + ff, g2, be2)
    return out

if __name__ == "__main__":
    import jax
    _d = setup_inputs()
    print(jax.jit(kernel)(*tuple(_d.values())))

</pallas_src>

<mosaic_0001>
#map = affine_map<(d0, d1) -> (0, 0)>
module attributes {stable_mosaic.version = 14 : i64} {
  func.func @_sc_gather_body(%arg0: i32, %arg1: i32, %arg2: memref<49152x32xf32, #tpu.memory_space<hbm>>, %arg3: memref<6144x128xi32, #tpu.memory_space<hbm>>, %arg4: memref<786432x32xf32, #tpu.memory_space<hbm>>, %arg5: memref<24x128xi32, #tpu.memory_space<vmem>>, %arg6: memref<3072x32xf32, #tpu.memory_space<vmem>>, %arg7: memref<!tpu.dma_semaphore, #tpu.memory_space<semaphore_mem>>) attributes {dimension_semantics = [#tpu.dimension_semantics<core_parallel>, #tpu.dimension_semantics<subcore_parallel>], iteration_bounds = array<i64: 2, 16>, scalar_prefetch = 0 : i64, scratch_operands = 3 : i64, tpu.core_type = #tpu.core_type<sc_vector_subcore>, window_params = [{transform_indices = #map}, {transform_indices = #map}, {transform_indices = #map}]} {
    %mul3A = arith.constant 2 : i32
    %mul3A_0 = arith.muli %arg1, %mul3A : i32
    %add3A = arith.addi %mul3A_0, %arg0 : i32
    %mul3A_1 = arith.constant 24576 : i32
    %mul3A_2 = arith.muli %add3A, %mul3A_1 : i32
    %scan3A = arith.constant 0 : i32
    %scan3A_3 = arith.constant 0 : i32
    %scan3A_4 = arith.constant 8 : i32
    %scan3A_5 = arith.addi %scan3A_3, %scan3A_4 : i32
    %scan3A_6 = arith.constant 1 : i32
    scf.for %scan3A_8 = %scan3A_3 to %scan3A_5 step %scan3A_6  : i32 {
      %mul3A_9 = arith.constant 3072 : i32
      %mul3A_10 = arith.muli %scan3A_8, %mul3A_9 : i32
      %add3A_11 = arith.addi %mul3A_2, %mul3A_10 : i32
      %jit3A = arith.constant 128 : i32
      %div3A = arith.divsi %add3A_11, %jit3A : i32
      %sign3A = arith.constant 0 : i32
      %sign3A_12 = arith.cmpi sgt, %add3A_11, %sign3A : i32
      %sign3A_13 = arith.extui %sign3A_12 : i1 to i32
      %sign3A_14 = arith.constant 0 : i32
      %sign3A_15 = arith.cmpi slt, %add3A_11, %sign3A_14 : i32
      %sign3A_16 = arith.extui %sign3A_15 : i1 to i32
      %sign3A_17 = arith.subi %sign3A_13, %sign3A_16 : i32
      %sign3A_18 = arith.constant 0 : i32
      %sign3A_19 = arith.cmpi sgt, %jit3A, %sign3A_18 : i32
      %sign3A_20 = arith.extui %sign3A_19 : i1 to i32
      %sign3A_21 = arith.constant 0 : i32
      %sign3A_22 = arith.cmpi slt, %jit3A, %sign3A_21 : i32
      %sign3A_23 = arith.extui %sign3A_22 : i1 to i32
      %sign3A_24 = arith.subi %sign3A_20, %sign3A_23 : i32
      %ne3A = arith.cmpi ne, %sign3A_17, %sign3A_24 : i32
      %rem3A = arith.remsi %add3A_11, %jit3A : i32
      %ne3A_25 = arith.constant 0 : i32
      %ne3A_26 = arith.cmpi ne, %rem3A, %ne3A_25 : i32
      %and3A = arith.andi %ne3A, %ne3A_26 : i1
      %sub3A = arith.constant 1 : i32
      %sub3A_27 = arith.subi %div3A, %sub3A : i32
      %select_n3A = arith.select %and3A, %sub3A_27, %div3A : i32
      %multiple_of3A = tpu.assume_multiple %select_n3A, 8 : i32
      "tpu.region"() ({
        %run_scoped3A = tpu.sem_alloc : memref<!tpu.dma_semaphore, #tpu.memory_space<semaphore_mem>>
        %dma_start3A_506 = arith.constant 0 : i32
        %dma_start3A_507 = tpu.memref_slice %arg3[%multiple_of3A, %dma_start3A_506] : memref<6144x128xi32, #tpu.memory_space<hbm>> -> memref<24x128xi32, #tpu.memory_space<hbm>>
        %dma_start3A_508 = arith.constant 0 : i32
        %dma_start3A_509 = tpu.memref_slice %arg3[%multiple_of3A, %dma_start3A_508] : memref<6144x128xi32, #tpu.memory_space<hbm>> -> memref<24x128xi32, #tpu.memory_space<hbm>>
        tpu.enqueue_dma source(%dma_start3A_509 : memref<24x128xi32, #tpu.memory_space<hbm>>) target(%arg5 : memref<24x128xi32, #tpu.memory_space<vmem>>) target_semaphore(%run_scoped3A : memref<!tpu.dma_semaphore, #tpu.memory_space<semaphore_mem>>)
        %dma_wait3A_510 = arith.constant 0 : i32
        %dma_wait3A_511 = tpu.memref_slice %arg3[%multiple_of3A, %dma_wait3A_510] : memref<6144x128xi32, #tpu.memory_space<hbm>> -> memref<24x128xi32, #tpu.memory_space<hbm>>
        %dma_wait3A_512 = arith.constant 0 : i32
        %dma_wait3A_513 = tpu.memref_slice %arg3[%multiple_of3A, %dma_wait3A_512] : memref<6144x128xi32, #tpu.memory_space<hbm>> -> memref<24x128xi32, #tpu.memory_space<hbm>>
        tpu.wait_dma2 semaphore(%run_scoped3A : memref<!tpu.dma_semaphore, #tpu.memory_space<semaphore_mem>>) src(%dma_wait3A_513 : memref<24x128xi32, #tpu.memory_space<hbm>>) dst(%arg5 : memref<24x128xi32, #tpu.memory_space<vmem>>)
        tpu.yield
      }) : () -> ()
      %dma_start3A = arith.constant 0 : i32
      %dma_start3A_28 = arith.constant 0 : i32
      %dma_start3A_29 = arith.constant 0 : i32
      %dma_start3A_30 = tpu.memref_slice %arg6[%dma_start3A_28, %dma_start3A_29] : memref<3072x32xf32, #tpu.memory_space<vmem>> -> memref<128x32xf32, #tpu.memory_space<vmem>>
      %dma_start3A_31 = arith.constant 0 : i32
      %dma_start3A_32 = tpu.memref_slice %arg5[%dma_start3A, %dma_start3A_31] : memref<24x128xi32, #tpu.memory_space<vmem>> -> memref<1x128xi32, #tpu.memory_space<vmem>>
      %dma_start3A_33 = tpu.memref_squeeze %dma_start3A_32 : memref<1x128xi32, #tpu.memory_space<vmem>> -> memref<128xi32, #tpu.memory_space<vmem>>
      %dma_start3A_34 = arith.constant 0 : i32
      %dma_start3A_35 = arith.constant 0 : i32
      %dma_start3A_36 = tpu.memref_slice %arg2[%dma_start3A_34, %dma_start3A_35] : memref<49152x32xf32, #tpu.memory_space<hbm>> -> memref<49152x32xf32, #tpu.memory_space<hbm>>
      tpu.enqueue_indirect_dma source(%dma_start3A_36 : memref<49152x32xf32, #tpu.memory_space<hbm>>) target(%dma_start3A_30 : memref<128x32xf32, #tpu.memory_space<vmem>>) offsets(%dma_start3A_33 : memref<128xi32, #tpu.memory_space<vmem>>) semaphore(%arg7 : memref<!tpu.dma_semaphore, #tpu.memory_space<semaphore_mem>>)
      %dma_start3A_37 = arith.constant 1 : i32
      %dma_start3A_38 = arith.constant 128 : i32
      %dma_start3A_39 = arith.constant 0 : i32
      %dma_start3A_40 = tpu.memref_slice %arg6[%dma_start3A_38, %dma_start3A_39] : memref<3072x32xf32, #tpu.memory_space<vmem>> -> memref<128x32xf32, #tpu.memory_space<vmem>>
      %dma_start3A_41 = arith.constant 0 : i32
      %dma_start3A_42 = tpu.memref_slice %arg5[%dma_start3A_37, %dma_start3A_41] : memref<24x128xi32, #tpu.memory_space<vmem>> -> memref<1x128xi32, #tpu.memory_space<vmem>>
      %dma_start3A_43 = tpu.memref_squeeze %dma_start3A_42 : memref<1x128xi32, #tpu.memory_space<vmem>> -> memref<128xi32, #tpu.memory_space<vmem>>
      %dma_start3A_44 = arith.constant 0 : i32
      %dma_start3A_45 = arith.constant 0 : i32
      %dma_start3A_46 = tpu.memref_slice %arg2[%dma_start3A_44, %dma_start3A_45] : memref<49152x32xf32, #tpu.memory_space<hbm>> -> memref<49152x32xf32, #tpu.memory_space<hbm>>
      tpu.enqueue_indirect_dma source(%dma_start3A_46 : memref<49152x32xf32, #tpu.memory_space<hbm>>) target(%dma_start3A_40 : memref<128x32xf32, #tpu.memory_space<vmem>>) offsets(%dma_start3A_43 : memref<128xi32, #tpu.memory_space<vmem>>) semaphore(%arg7 : memref<!tpu.dma_semaphore, #tpu.memory_space<semaphore_mem>>)
      %dma_start3A_47 = arith.constant 2 : i32
      %dma_start3A_48 = arith.constant 256 : i32
      %dma_start3A_49 = arith.constant 0 : i32
      %dma_start3A_50 = tpu.memref_slice %arg6[%dma_start3A_48, %dma_start3A_49] : memref<3072x32xf32, #tpu.memory_space<vmem>> -> memref<128x32xf32, #tpu.memory_space<vmem>>
      %dma_start3A_51 = arith.constant 0 : i32
      %dma_start3A_52 = tpu.memref_slice %arg5[%dma_start3A_47, %dma_start3A_51] : memref<24x128xi32, #tpu.memory_space<vmem>> -> memref<1x128xi32, #tpu.memory_space<vmem>>
      %dma_start3A_53 = tpu.memref_squeeze %dma_start3A_52 : memref<1x128xi32, #tpu.memory_space<vmem>> -> memref<128xi32, #tpu.memory_space<vmem>>
      %dma_start3A_54 = arith.constant 0 : i32
      %dma_start3A_55 = arith.constant 0 : i32
      %dma_start3A_56 = tpu.memref_slice %arg2[%dma_start3A_54, %dma_start3A_55] : memref<49152x32xf32, #tpu.memory_space<hbm>> -> memref<49152x32xf32, #tpu.memory_space<hbm>>
      tpu.enqueue_indirect_dma source(%dma_start3A_56 : memref<49152x32xf32, #tpu.memory_space<hbm>>) target(%dma_start3A_50 : memref<128x32xf32, #tpu.memory_space<vmem>>) offsets(%dma_start3A_53 : memref<128xi32, #tpu.memory_space<vmem>>) semaphore(%arg7 : memref<!tpu.dma_semaphore, #tpu.memory_space<semaphore_mem>>)
      %dma_start3A_57 = arith.constant 3 : i32
      %dma_start3A_58 = arith.constant 384 : i32
      %dma_start3A_59 = arith.constant 0 : i32
      %dma_start3A_60 = tpu.memref_slice %arg6[%dma_start3A_58, %dma_start3A_59] : memref<3072x32xf32, #tpu.memory_space<vmem>> -> memref<128x32xf32, #tpu.memory_space<vmem>>
      %dma_start3A_61 = arith.constant 0 : i32
      %dma_start3A_62 = tpu.memref_slice %arg5[%dma_start3A_57, %dma_start3A_61] : memref<24x128xi32, #tpu.memory_space<vmem>> -> memref<1x128xi32, #tpu.memory_space<vmem>>
      %dma_start3A_63 = tpu.memref_squeeze %dma_start3A_62 : memref<1x128xi32, #tpu.memory_space<vmem>> -> memref<128xi32, #tpu.memory_space<vmem>>
      %dma_start3A_64 = arith.constant 0 : i32
      %dma_start3A_65 = arith.constant 0 : i32
      %dma_start3A_66 = tpu.memref_slice %arg2[%dma_start3A_64, %dma_start3A_65] : memref<49152x32xf32, #tpu.memory_space<hbm>> -> memref<49152x32xf32, #tpu.memory_space<hbm>>
      tpu.enqueue_indirect_dma source(%dma_start3A_66 : memref<49152x32xf32, #tpu.memory_space<hbm>>) target(%dma_start3A_60 : memref<128x32xf32, #tpu.memory_space<vmem>>) offsets(%dma_start3A_63 : memref<128xi32, #tpu.memory_space<vmem>>) semaphore(%arg7 : memref<!tpu.dma_semaphore, #tpu.memory_space<semaphore_mem>>)
      %dma_start3A_67 = arith.constant 4 : i32
      %dma_start3A_68 = arith.constant 512 : i32
      %dma_start3A_69 = arith.constant 0 : i32
      %dma_start3A_70 = tpu.memref_slice %arg6[%dma_start3A_68, %dma_start3A_69] : memref<3072x32xf32, #tpu.memory_space<vmem>> -> memref<128x32xf32, #tpu.memory_space<vmem>>
      %dma_start3A_71 = arith.constant 0 : i32
      %dma_start3A_72 = tpu.memref_slice %arg5[%dma_start3A_67, %dma_start3A_71] : memref<24x128xi32, #tpu.memory_space<vmem>> -> memref<1x128xi32, #tpu.memory_space<vmem>>
      %dma_start3A_73 = tpu.memref_squeeze %dma_start3A_72 : memref<1x128xi32, #tpu.memory_space<vmem>> -> memref<128xi32, #tpu.memory_space<vmem>>
      %dma_start3A_74 = arith.constant 0 : i32
      %dma_start3A_75 = arith.constant 0 : i32
      %dma_start3A_76 = tpu.memref_slice %arg2[%dma_start3A_74, %dma_start3A_75] : memref<49152x32xf32, #tpu.memory_space<hbm>> -> memref<49152x32xf32, #tpu.memory_space<hbm>>
      tpu.enqueue_indirect_dma source(%dma_start3A_76 : memref<49152x32xf32, #tpu.memory_space<hbm>>) target(%dma_start3A_70 : memref<128x32xf32, #tpu.memory_space<vmem>>) offsets(%dma_start3A_73 : memref<128xi32, #tpu.memory_space<vmem>>) semaphore(%arg7 : memref<!tpu.dma_semaphore, #tpu.memory_space<semaphore_mem>>)
      %dma_start3A_77 = arith.constant 5 : i32
      %dma_start3A_78 = arith.constant 640 : i32
      %dma_start3A_79 = arith.constant 0 : i32
      %dma_start3A_80 = tpu.memref_slice %arg6[%dma_start3A_78, %dma_start3A_79] : memref<3072x32xf32, #tpu.memory_space<vmem>> -> memref<128x32xf32, #tpu.memory_space<vmem>>
      %dma_start3A_81 = arith.constant 0 : i32
      %dma_start3A_82 = tpu.memref_slice %arg5[%dma_start3A_77, %dma_start3A_81] : memref<24x128xi32, #tpu.memory_space<vmem>> -> memref<1x128xi32, #tpu.memory_space<vmem>>
      %dma_start3A_83 = tpu.memref_squeeze %dma_start3A_82 : memref<1x128xi32, #tpu.memory_space<vmem>> -> memref<128xi32, #tpu.memory_space<vmem>>
      %dma_start3A_84 = arith.constant 0 : i32
      %dma_start3A_85 = arith.constant 0 : i32
      %dma_start3A_86 = tpu.memref_slice %arg2[%dma_start3A_84, %dma_start3A_85] : memref<49152x32xf32, #tpu.memory_space<hbm>> -> memref<49152x32xf32, #tpu.memory_space<hbm>>
      tpu.enqueue_indirect_dma source(%dma_start3A_86 : memref<49152x32xf32, #tpu.memory_space<hbm>>) target(%dma_start3A_80 : memref<128x32xf32, #tpu.memory_space<vmem>>) offsets(%dma_start3A_83 : memref<128xi32, #tpu.memory_space<vmem>>) semaphore(%arg7 : memref<!tpu.dma_semaphore, #tpu.memory_space<semaphore_mem>>)
      %dma_start3A_87 = arith.constant 6 : i32
      %dma_start3A_88 = arith.constant 768 : i32
      %dma_start3A_89 = arith.constant 0 : i32
      %dma_start3A_90 = tpu.memref_slice %arg6[%dma_start3A_88, %dma_start3A_89] : memref<3072x32xf32, #tpu.memory_space<vmem>> -> memref<128x32xf32, #tpu.memory_space<vmem>>
      %dma_start3A_91 = arith.constant 0 : i32
      %dma_start3A_92 = tpu.memref_slice %arg5[%dma_start3A_87, %dma_start3A_91] : memref<24x128xi32, #tpu.memory_space<vmem>> -> memref<1x128xi32, #tpu.memory_space<vmem>>
      %dma_start3A_93 = tpu.memref_squeeze %dma_start3A_92 : memref<1x128xi32, #tpu.memory_space<vmem>> -> memref<128xi32, #tpu.memory_space<vmem>>
      %dma_start3A_94 = arith.constant 0 : i32
      %dma_start3A_95 = arith.constant 0 : i32
      %dma_start3A_96 = tpu.memref_slice %arg2[%dma_start3A_94, %dma_start3A_95] : memref<49152x32xf32, #tpu.memory_space<hbm>> -> memref<49152x32xf32, #tpu.memory_space<hbm>>
      tpu.enqueue_indirect_dma source(%dma_start3A_96 : memref<49152x32xf32, #tpu.memory_space<hbm>>) target(%dma_start3A_90 : memref<128x32xf32, #tpu.memory_space<vmem>>) offsets(%dma_start3A_93 : memref<128xi32, #tpu.memory_space<vmem>>) semaphore(%arg7 : memref<!tpu.dma_semaphore, #tpu.memory_space<semaphore_mem>>)
      %dma_start3A_97 = arith.constant 7 : i32
      %dma_start3A_98 = arith.constant 896 : i32
      %dma_start3A_99 = arith.constant 0 : i32
      %dma_start3A_100 = tpu.memref_slice %arg6[%dma_start3A_98, %dma_start3A_99] : memref<3072x32xf32, #tpu.memory_space<vmem>> -> memref<128x32xf32, #tpu.memory_space<vmem>>
      %dma_start3A_101 = arith.constant 0 : i32
      %dma_start3A_102 = tpu.memref_slice %arg5[%dma_start3A_97, %dma_start3A_101] : memref<24x128xi32, #tpu.memory_space<vmem>> -> memref<1x128xi32, #tpu.memory_space<vmem>>
      %dma_start3A_103 = tpu.memref_squeeze %dma_start3A_102 : memref<1x128xi32, #tpu.memory_space<vmem>> -> memref<128xi32, #tpu.memory_space<vmem>>
      %dma_start3A_104 = arith.constant 0 : i32
      %dma_start3A_105 = arith.constant 0 : i32
      %dma_start3A_106 = tpu.memref_slice %arg2[%dma_start3A_104, %dma_start3A_105] : memref<49152x32xf32, #tpu.memory_space<hbm>> -> memref<49152x32xf32, #tpu.memory_space<hbm>>
      tpu.enqueue_indirect_dma source(%dma_start3A_106 : memref<49152x32xf32, #tpu.memory_space<hbm>>) target(%dma_start3A_100 : memref<128x32xf32, #tpu.memory_space<vmem>>) offsets(%dma_start3A_103 : memref<128xi32, #tpu.memory_space<vmem>>) semaphore(%arg7 : memref<!tpu.dma_semaphore, #tpu.memory_space<semaphore_mem>>)
      %dma_start3A_107 = arith.constant 8 : i32
      %dma_start3A_108 = arith.constant 1024 : i32
      %dma_start3A_109 = arith.constant 0 : i32
      %dma_start3A_110 = tpu.memref_slice %arg6[%dma_start3A_108, %dma_start3A_109] : memref<3072x32xf32, #tpu.memory_space<vmem>> -> memref<128x32xf32, #tpu.memory_space<vmem>>
      %dma_start3A_111 = arith.constant 0 : i32
      %dma_start3A_112 = tpu.memref_slice %arg5[%dma_start3A_107, %dma_start3A_111] : memref<24x128xi32, #tpu.memory_space<vmem>> -> memref<1x128xi32, #tpu.memory_space<vmem>>
      %dma_start3A_113 = tpu.memref_squeeze %dma_start3A_112 : memref<1x128xi32, #tpu.memory_space<vmem>> -> memref<128xi32, #tpu.memory_space<vmem>>
      %dma_start3A_114 = arith.constant 0 : i32
      %dma_start3A_115 = arith.constant 0 : i32
      %dma_start3A_116 = tpu.memref_slice %arg2[%dma_start3A_114, %dma_start3A_115] : memref<49152x32xf32, #tpu.memory_space<hbm>> -> memref<49152x32xf32, #tpu.memory_space<hbm>>
      tpu.enqueue_indirect_dma source(%dma_start3A_116 : memref<49152x32xf32, #tpu.memory_space<hbm>>) target(%dma_start3A_110 : memref<128x32xf32, #tpu.memory_space<vmem>>) offsets(%dma_start3A_113 : memref<128xi32, #tpu.memory_space<vmem>>) semaphore(%arg7 : memref<!tpu.dma_semaphore, #tpu.memory_space<semaphore_mem>>)
      %dma_start3A_117 = arith.constant 9 : i32
      %dma_start3A_118 = arith.constant 1152 : i32
      %dma_start3A_119 = arith.constant 0 : i32
      %dma_start3A_120 = tpu.memref_slice %arg6[%dma_start3A_118, %dma_start3A_119] : memref<3072x32xf32, #tpu.memory_space<vmem>> -> memref<128x32xf32, #tpu.memory_space<vmem>>
      %dma_start3A_121 = arith.constant 0 : i32
      %dma_start3A_122 = tpu.memref_slice %arg5[%dma_start3A_117, %dma_start3A_121] : memref<24x128xi32, #tpu.memory_space<vmem>> -> memref<1x128xi32, #tpu.memory_space<vmem>>
      %dma_start3A_123 = tpu.memref_squeeze %dma_start3A_122 : memref<1x128xi32, #tpu.memory_space<vmem>> -> memref<128xi32, #tpu.memory_space<vmem>>
      %dma_start3A_124 = arith.constant 0 : i32
      %dma_start3A_125 = arith.constant 0 : i32
      %dma_start3A_126 = tpu.memref_slice %arg2[%dma_start3A_124, %dma_start3A_125] : memref<49152x32xf32, #tpu.memory_space<hbm>> -> memref<49152x32xf32, #tpu.memory_space<hbm>>
      tpu.enqueue_indirect_dma source(%dma_start3A_126 : memref<49152x32xf32, #tpu.memory_space<hbm>>) target(%dma_start3A_120 : memref<128x32xf32, #tpu.memory_space<vmem>>) offsets(%dma_start3A_123 : memref<128xi32, #tpu.memory_space<vmem>>) semaphore(%arg7 : memref<!tpu.dma_semaphore, #tpu.memory_space<semaphore_mem>>)
      %dma_start3A_127 = arith.constant 10 : i32
      %dma_start3A_128 = arith.constant 1280 : i32
      %dma_start3A_129 = arith.constant 0 : i32
      %dma_start3A_130 = tpu.memref_slice %arg6[%dma_start3A_128, %dma_start3A_129] : memref<3072x32xf32, #tpu.memory_space<vmem>> -> memref<128x32xf32, #tpu.memory_space<vmem>>
      %dma_start3A_131 = arith.constant 0 : i32
      %dma_start3A_132 = tpu.memref_slice %arg5[%dma_start3A_127, %dma_start3A_131] : memref<24x128xi32, #tpu.memory_space<vmem>> -> memref<1x128xi32, #tpu.memory_space<vmem>>
      %dma_start3A_133 = tpu.memref_squeeze %dma_start3A_132 : memref<1x128xi32, #tpu.memory_space<vmem>> -> memref<128xi32, #tpu.memory_space<vmem>>
      %dma_start3A_134 = arith.constant 0 : i32
      %dma_start3A_135 = arith.constant 0 : i32
      %dma_start3A_136 = tpu.memref_slice %arg2[%dma_start3A_134, %dma_start3A_135] : memref<49152x32xf32, #tpu.memory_space<hbm>> -> memref<49152x32xf32, #tpu.memory_space<hbm>>
      tpu.enqueue_indirect_dma source(%dma_start3A_136 : memref<49152x32xf32, #tpu.memory_space<hbm>>) target(%dma_start3A_130 : memref<128x32xf32, #tpu.memory_space<vmem>>) offsets(%dma_start3A_133 : memref<128xi32, #tpu.memory_space<vmem>>) semaphore(%arg7 : memref<!tpu.dma_semaphore, #tpu.memory_space<semaphore_mem>>)
      %dma_start3A_137 = arith.constant 11 : i32
      %dma_start3A_138 = arith.constant 1408 : i32
      %dma_start3A_139 = arith.constant 0 : i32
      %dma_start3A_140 = tpu.memref_slice %arg6[%dma_start3A_138, %dma_start3A_139] : memref<3072x32xf32, #tpu.memory_space<vmem>> -> memref<128x32xf32, #tpu.memory_space<vmem>>
      %dma_start3A_141 = arith.constant 0 : i32
      %dma_start3A_142 = tpu.memref_slice %arg5[%dma_start3A_137, %dma_start3A_141] : memref<24x128xi32, #tpu.memory_space<vmem>> -> memref<1x128xi32, #tpu.memory_space<vmem>>
      %dma_start3A_143 = tpu.memref_squeeze %dma_start3A_142 : memref<1x128xi32, #tpu.memory_space<vmem>> -> memref<128xi32, #tpu.memory_space<vmem>>
      %dma_start3A_144 = arith.constant 0 : i32
      %dma_start3A_145 = arith.constant 0 : i32
      %dma_start3A_146 = tpu.memref_slice %arg2[%dma_start3A_144, %dma_start3A_145] : memref<49152x32xf32, #tpu.memory_space<hbm>> -> memref<49152x32xf32, #tpu.memory_space<hbm>>
      tpu.enqueue_indirect_dma source(%dma_start3A_146 : memref<49152x32xf32, #tpu.memory_space<hbm>>) target(%dma_start3A_140 : memref<128x32xf32, #tpu.memory_space<vmem>>) offsets(%dma_start3A_143 : memref<128xi32, #tpu.memory_space<vmem>>) semaphore(%arg7 : memref<!tpu.dma_semaphore, #tpu.memory_space<semaphore_mem>>)
      %dma_start3A_147 = arith.constant 12 : i32
      %dma_start3A_148 = arith.constant 1536 : i32
      %dma_start3A_149 = arith.constant 0 : i32
      %dma_start3A_150 = tpu.memref_slice %arg6[%dma_start3A_148, %dma_start3A_149] : memref<3072x32xf32, #tpu.memory_space<vmem>> -> memref<128x32xf32, #tpu.memory_space<vmem>>
      %dma_start3A_151 = arith.constant 0 : i32
      %dma_start3A_152 = tpu.memref_slice %arg5[%dma_start3A_147, %dma_start3A_151] : memref<24x128xi32, #tpu.memory_space<vmem>> -> memref<1x128xi32, #tpu.memory_space<vmem>>
      %dma_start3A_153 = tpu.memref_squeeze %dma_start3A_152 : memref<1x128xi32, #tpu.memory_space<vmem>> -> memref<128xi32, #tpu.memory_space<vmem>>
      %dma_start3A_154 = arith.constant 0 : i32
      %dma_start3A_155 = arith.constant 0 : i32
      %dma_start3A_156 = tpu.memref_slice %arg2[%dma_start3A_154, %dma_start3A_155] : memref<49152x32xf32, #tpu.memory_space<hbm>> -> memref<49152x32xf32, #tpu.memory_space<hbm>>
      tpu.enqueue_indirect_dma source(%dma_start3A_156 : memref<49152x32xf32, #tpu.memory_space<hbm>>) target(%dma_start3A_150 : memref<128x32xf32, #tpu.memory_space<vmem>>) offsets(%dma_start3A_153 : memref<128xi32, #tpu.memory_space<vmem>>) semaphore(%arg7 : memref<!tpu.dma_semaphore, #tpu.memory_space<semaphore_mem>>)
      %dma_start3A_157 = arith.constant 13 : i32
      %dma_start3A_158 = arith.constant 1664 : i32
      %dma_start3A_159 = arith.constant 0 : i32
      %dma_start3A_160 = tpu.memref_slice %arg6[%dma_start3A_158, %dma_start3A_159] : memref<3072x32xf32, #tpu.memory_space<vmem>> -> memref<128x32xf32, #tpu.memory_space<vmem>>
      %dma_start3A_161 = arith.constant 0 : i32
      %dma_start3A_162 = tpu.memref_slice %arg5[%dma_start3A_157, %dma_start3A_161] : memref<24x128xi32, #tpu.memory_space<vmem>> -> memref<1x128xi32, #tpu.memory_space<vmem>>
      %dma_start3A_163 = tpu.memref_squeeze %dma_start3A_162 : memref<1x128xi32, #tpu.memory_space<vmem>> -> memref<128xi32, #tpu.memory_space<vmem>>
      %dma_start3A_164 = arith.constant 0 : i32
      %dma_start3A_165 = arith.constant 0 : i32
      %dma_start3A_166 = tpu.memref_slice %arg2[%dma_start3A_164, %dma_start3A_165] : memref<49152x32xf32, #tpu.memory_space<hbm>> -> memref<49152x32xf32, #tpu.memory_space<hbm>>
      tpu.enqueue_indirect_dma source(%dma_start3A_166 : memref<49152x32xf32, #tpu.memory_space<hbm>>) target(%dma_start3A_160 : memref<128x32xf32, #tpu.memory_space<vmem>>) offsets(%dma_start3A_163 : memref<128xi32, #tpu.memory_space<vmem>>) semaphore(%arg7 : memref<!tpu.dma_semaphore, #tpu.memory_space<semaphore_mem>>)
      %dma_start3A_167 = arith.constant 14 : i32
      %dma_start3A_168 = arith.constant 1792 : i32
      %dma_start3A_169 = arith.constant 0 : i32
      %dma_start3A_170 = tpu.memref_slice %arg6[%dma_start3A_168, %dma_start3A_169] : memref<3072x32xf32, #tpu.memory_space<vmem>> -> memref<128x32xf32, #tpu.memory_space<vmem>>
      %dma_start3A_171 = arith.constant 0 : i32
      %dma_start3A_172 = tpu.memref_slice %arg5[%dma_start3A_167, %dma_start3A_171] : memref<24x128xi32, #tpu.memory_space<vmem>> -> memref<1x128xi32, #tpu.memory_space<vmem>>
      %dma_start3A_173 = tpu.memref_squeeze %dma_start3A_172 : memref<1x128xi32, #tpu.memory_space<vmem>> -> memref<128xi32, #tpu.memory_space<vmem>>
      %dma_start3A_174 = arith.constant 0 : i32
      %dma_start3A_175 = arith.constant 0 : i32
      %dma_start3A_176 = tpu.memref_slice %arg2[%dma_start3A_174, %dma_start3A_175] : memref<49152x32xf32, #tpu.memory_space<hbm>> -> memref<49152x32xf32, #tpu.memory_space<hbm>>
      tpu.enqueue_indirect_dma source(%dma_start3A_176 : memref<49152x32xf32, #tpu.memory_space<hbm>>) target(%dma_start3A_170 : memref<128x32xf32, #tpu.memory_space<vmem>>) offsets(%dma_start3A_173 : memref<128xi32, #tpu.memory_space<vmem>>) semaphore(%arg7 : memref<!tpu.dma_semaphore, #tpu.memory_space<semaphore_mem>>)
      %dma_start3A_177 = arith.constant 15 : i32
      %dma_start3A_178 = arith.constant 1920 : i32
      %dma_start3A_179 = arith.constant 0 : i32
      %dma_start3A_180 = tpu.memref_slice %arg6[%dma_start3A_178, %dma_start3A_179] : memref<3072x32xf32, #tpu.memory_space<vmem>> -> memref<128x32xf32, #tpu.memory_space<vmem>>
      %dma_start3A_181 = arith.constant 0 : i32
      %dma_start3A_182 = tpu.memref_slice %arg5[%dma_start3A_177, %dma_start3A_181] : memref<24x128xi32, #tpu.memory_space<vmem>> -> memref<1x128xi32, #tpu.memory_space<vmem>>
      %dma_start3A_183 = tpu.memref_squeeze %dma_start3A_182 : memref<1x128xi32, #tpu.memory_space<vmem>> -> memref<128xi32, #tpu.memory_space<vmem>>
      %dma_start3A_184 = arith.constant 0 : i32
      %dma_start3A_185 = arith.constant 0 : i32
      %dma_start3A_186 = tpu.memref_slice %arg2[%dma_start3A_184, %dma_start3A_185] : memref<49152x32xf32, #tpu.memory_space<hbm>> -> memref<49152x32xf32, #tpu.memory_space<hbm>>
      tpu.enqueue_indirect_dma source(%dma_start3A_186 : memref<49152x32xf32, #tpu.memory_space<hbm>>) target(%dma_start3A_180 : memref<128x32xf32, #tpu.memory_space<vmem>>) offsets(%dma_start3A_183 : memref<128xi32, #tpu.memory_space<vmem>>) semaphore(%arg7 : memref<!tpu.dma_semaphore, #tpu.memory_space<semaphore_mem>>)
      %dma_start3A_187 = arith.constant 16 : i32
      %dma_start3A_188 = arith.constant 2048 : i32
      %dma_start3A_189 = arith.constant 0 : i32
      %dma_start3A_190 = tpu.memref_slice %arg6[%dma_start3A_188, %dma_start3A_189] : memref<3072x32xf32, #tpu.memory_space<vmem>> -> memref<128x32xf32, #tpu.memory_space<vmem>>
      %dma_start3A_191 = arith.constant 0 : i32
      %dma_start3A_192 = tpu.memref_slice %arg5[%dma_start3A_187, %dma_start3A_191] : memref<24x128xi32, #tpu.memory_space<vmem>> -> memref<1x128xi32, #tpu.memory_space<vmem>>
      %dma_start3A_193 = tpu.memref_squeeze %dma_start3A_192 : memref<1x128xi32, #tpu.memory_space<vmem>> -> memref<128xi32, #tpu.memory_space<vmem>>
      %dma_start3A_194 = arith.constant 0 : i32
      %dma_start3A_195 = arith.constant 0 : i32
      %dma_start3A_196 = tpu.memref_slice %arg2[%dma_start3A_194, %dma_start3A_195] : memref<49152x32xf32, #tpu.memory_space<hbm>> -> memref<49152x32xf32, #tpu.memory_space<hbm>>
      tpu.enqueue_indirect_dma source(%dma_start3A_196 : memref<49152x32xf32, #tpu.memory_space<hbm>>) target(%dma_start3A_190 : memref<128x32xf32, #tpu.memory_space<vmem>>) offsets(%dma_start3A_193 : memref<128xi32, #tpu.memory_space<vmem>>) semaphore(%arg7 : memref<!tpu.dma_semaphore, #tpu.memory_space<semaphore_mem>>)
      %dma_start3A_197 = arith.constant 17 : i32
      %dma_start3A_198 = arith.constant 2176 : i32
      %dma_start3A_199 = arith.constant 0 : i32
      %dma_start3A_200 = tpu.memref_slice %arg6[%dma_start3A_198, %dma_start3A_199] : memref<3072x32xf32, #tpu.memory_space<vmem>> -> memref<128x32xf32, #tpu.memory_space<vmem>>
      %dma_start3A_201 = arith.constant 0 : i32
      %dma_start3A_202 = tpu.memref_slice %arg5[%dma_start3A_197, %dma_start3A_201] : memref<24x128xi32, #tpu.memory_space<vmem>> -> memref<1x128xi32, #tpu.memory_space<vmem>>
      %dma_start3A_203 = tpu.memref_squeeze %dma_start3A_202 : memref<1x128xi32, #tpu.memory_space<vmem>> -> memref<128xi32, #tpu.memory_space<vmem>>
      %dma_start3A_204 = arith.constant 0 : i32
      %dma_start3A_205 = arith.constant 0 : i32
      %dma_start3A_206 = tpu.memref_slice %arg2[%dma_start3A_204, %dma_start3A_205] : memref<49152x32xf32, #tpu.memory_space<hbm>> -> memref<49152x32xf32, #tpu.memory_space<hbm>>
      tpu.enqueue_indirect_dma source(%dma_start3A_206 : memref<49152x32xf32, #tpu.memory_space<hbm>>) target(%dma_start3A_200 : memref<128x32xf32, #tpu.memory_space<vmem>>) offsets(%dma_start3A_203 : memref<128xi32, #tpu.memory_space<vmem>>) semaphore(%arg7 : memref<!tpu.dma_semaphore, #tpu.memory_space<semaphore_mem>>)
      %dma_start3A_207 = arith.constant 18 : i32
      %dma_start3A_208 = arith.constant 2304 : i32
      %dma_start3A_209 = arith.constant 0 : i32
      %dma_start3A_210 = tpu.memref_slice %arg6[%dma_start3A_208, %dma_start3A_209] : memref<3072x32xf32, #tpu.memory_space<vmem>> -> memref<128x32xf32, #tpu.memory_space<vmem>>
      %dma_start3A_211 = arith.constant 0 : i32
      %dma_start3A_212 = tpu.memref_slice %arg5[%dma_start3A_207, %dma_start3A_211] : memref<24x128xi32, #tpu.memory_space<vmem>> -> memref<1x128xi32, #tpu.memory_space<vmem>>
      %dma_start3A_213 = tpu.memref_squeeze %dma_start3A_212 : memref<1x128xi32, #tpu.memory_space<vmem>> -> memref<128xi32, #tpu.memory_space<vmem>>
      %dma_start3A_214 = arith.constant 0 : i32
      %dma_start3A_215 = arith.constant 0 : i32
      %dma_start3A_216 = tpu.memref_slice %arg2[%dma_start3A_214, %dma_start3A_215] : memref<49152x32xf32, #tpu.memory_space<hbm>> -> memref<49152x32xf32, #tpu.memory_space<hbm>>
      tpu.enqueue_indirect_dma source(%dma_start3A_216 : memref<49152x32xf32, #tpu.memory_space<hbm>>) target(%dma_start3A_210 : memref<128x32xf32, #tpu.memory_space<vmem>>) offsets(%dma_start3A_213 : memref<128xi32, #tpu.memory_space<vmem>>) semaphore(%arg7 : memref<!tpu.dma_semaphore, #tpu.memory_space<semaphore_mem>>)
      %dma_start3A_217 = arith.constant 19 : i32
      %dma_start3A_218 = arith.constant 2432 : i32
      %dma_start3A_219 = arith.constant 0 : i32
      %dma_start3A_220 = tpu.memref_slice %arg6[%dma_start3A_218, %dma_start3A_219] : memref<3072x32xf32, #tpu.memory_space<vmem>> -> memref<128x32xf32, #tpu.memory_space<vmem>>
      %dma_start3A_221 = arith.constant 0 : i32
      %dma_start3A_222 = tpu.memref_slice %arg5[%dma_start3A_217, %dma_start3A_221] : memref<24x128xi32, #tpu.memory_space<vmem>> -> memref<1x128xi32, #tpu.memory_space<vmem>>
      %dma_start3A_223 = tpu.memref_squeeze %dma_start3A_222 : memref<1x128xi32, #tpu.memory_space<vmem>> -> memref<128xi32, #tpu.memory_space<vmem>>
      %dma_start3A_224 = arith.constant 0 : i32
      %dma_start3A_225 = arith.constant 0 : i32
      %dma_start3A_226 = tpu.memref_slice %arg2[%dma_start3A_224, %dma_start3A_225] : memref<49152x32xf32, #tpu.memory_space<hbm>> -> memref<49152x32xf32, #tpu.memory_space<hbm>>
      tpu.enqueue_indirect_dma source(%dma_start3A_226 : memref<49152x32xf32, #tpu.memory_space<hbm>>) target(%dma_start3A_220 : memref<128x32xf32, #tpu.memory_space<vmem>>) offsets(%dma_start3A_223 : memref<128xi32, #tpu.memory_space<vmem>>) semaphore(%arg7 : memref<!tpu.dma_semaphore, #tpu.memory_space<semaphore_mem>>)
      %dma_start3A_227 = arith.constant 20 : i32
      %dma_start3A_228 = arith.constant 2560 : i32
      %dma_start3A_229 = arith.constant 0 : i32
      %dma_start3A_230 = tpu.memref_slice %arg6[%dma_start3A_228, %dma_start3A_229] : memref<3072x32xf32, #tpu.memory_space<vmem>> -> memref<128x32xf32, #tpu.memory_space<vmem>>
      %dma_start3A_231 = arith.constant 0 : i32
      %dma_start3A_232 = tpu.memref_slice %arg5[%dma_start3A_227, %dma_start3A_231] : memref<24x128xi32, #tpu.memory_space<vmem>> -> memref<1x128xi32, #tpu.memory_space<vmem>>
      %dma_start3A_233 = tpu.memref_squeeze %dma_start3A_232 : memref<1x128xi32, #tpu.memory_space<vmem>> -> memref<128xi32, #tpu.memory_space<vmem>>
      %dma_start3A_234 = arith.constant 0 : i32
      %dma_start3A_235 = arith.constant 0 : i32
      %dma_start3A_236 = tpu.memref_slice %arg2[%dma_start3A_234, %dma_start3A_235] : memref<49152x32xf32, #tpu.memory_space<hbm>> -> memref<49152x32xf32, #tpu.memory_space<hbm>>
      tpu.enqueue_indirect_dma source(%dma_start3A_236 : memref<49152x32xf32, #tpu.memory_space<hbm>>) target(%dma_start3A_230 : memref<128x32xf32, #tpu.memory_space<vmem>>) offsets(%dma_start3A_233 : memref<128xi32, #tpu.memory_space<vmem>>) semaphore(%arg7 : memref<!tpu.dma_semaphore, #tpu.memory_space<semaphore_mem>>)
      %dma_start3A_237 = arith.constant 21 : i32
      %dma_start3A_238 = arith.constant 2688 : i32
      %dma_start3A_239 = arith.constant 0 : i32
      %dma_start3A_240 = tpu.memref_slice %arg6[%dma_start3A_238, %dma_start3A_239] : memref<3072x32xf32, #tpu.memory_space<vmem>> -> memref<128x32xf32, #tpu.memory_space<vmem>>
      %dma_start3A_241 = arith.constant 0 : i32
      %dma_start3A_242 = tpu.memref_slice %arg5[%dma_start3A_237, %dma_start3A_241] : memref<24x128xi32, #tpu.memory_space<vmem>> -> memref<1x128xi32, #tpu.memory_space<vmem>>
      %dma_start3A_243 = tpu.memref_squeeze %dma_start3A_242 : memref<1x128xi32, #tpu.memory_space<vmem>> -> memref<128xi32, #tpu.memory_space<vmem>>
      %dma_start3A_244 = arith.constant 0 : i32
      %dma_start3A_245 = arith.constant 0 : i32
      %dma_start3A_246 = tpu.memref_slice %arg2[%dma_start3A_244, %dma_start3A_245] : memref<49152x32xf32, #tpu.memory_space<hbm>> -> memref<49152x32xf32, #tpu.memory_space<hbm>>
      tpu.enqueue_indirect_dma source(%dma_start3A_246 : memref<49152x32xf32, #tpu.memory_space<hbm>>) target(%dma_start3A_240 : memref<128x32xf32, #tpu.memory_space<vmem>>) offsets(%dma_start3A_243 : memref<128xi32, #tpu.memory_space<vmem>>) semaphore(%arg7 : memref<!tpu.dma_semaphore, #tpu.memory_space<semaphore_mem>>)
      %dma_start3A_247 = arith.constant 22 : i32
      %dma_start3A_248 = arith.constant 2816 : i32
      %dma_start3A_249 = arith.constant 0 : i32
      %dma_start3A_250 = tpu.memref_slice %arg6[%dma_start3A_248, %dma_start3A_249] : memref<3072x32xf32, #tpu.memory_space<vmem>> -> memref<128x32xf32, #tpu.memory_space<vmem>>
      %dma_start3A_251 = arith.constant 0 : i32
      %dma_start3A_252 = tpu.memref_slice %arg5[%dma_start3A_247, %dma_start3A_251] : memref<24x128xi32, #tpu.memory_space<vmem>> -> memref<1x128xi32, #tpu.memory_space<vmem>>
      %dma_start3A_253 = tpu.memref_squeeze %dma_start3A_252 : memref<1x128xi32, #tpu.memory_space<vmem>> -> memref<128xi32, #tpu.memory_space<vmem>>
      %dma_start3A_254 = arith.constant 0 : i32
      %dma_start3A_255 = arith.constant 0 : i32
      %dma_start3A_256 = tpu.memref_slice %arg2[%dma_start3A_254, %dma_start3A_255] : memref<49152x32xf32, #tpu.memory_space<hbm>> -> memref<49152x32xf32, #tpu.memory_space<hbm>>
      tpu.enqueue_indirect_dma source(%dma_start3A_256 : memref<49152x32xf32, #tpu.memory_space<hbm>>) target(%dma_start3A_250 : memref<128x32xf32, #tpu.memory_space<vmem>>) offsets(%dma_start3A_253 : memref<128xi32, #tpu.memory_space<vmem>>) semaphore(%arg7 : memref<!tpu.dma_semaphore, #tpu.memory_space<semaphore_mem>>)
      %dma_start3A_257 = arith.constant 23 : i32
      %dma_start3A_258 = arith.constant 2944 : i32
      %dma_start3A_259 = arith.constant 0 : i32
      %dma_start3A_260 = tpu.memref_slice %arg6[%dma_start3A_258, %dma_start3A_259] : memref<3072x32xf32, #tpu.memory_space<vmem>> -> memref<128x32xf32, #tpu.memory_space<vmem>>
      %dma_start3A_261 = arith.constant 0 : i32
      %dma_start3A_262 = tpu.memref_slice %arg5[%dma_start3A_257, %dma_start3A_261] : memref<24x128xi32, #tpu.memory_space<vmem>> -> memref<1x128xi32, #tpu.memory_space<vmem>>
      %dma_start3A_263 = tpu.memref_squeeze %dma_start3A_262 : memref<1x128xi32, #tpu.memory_space<vmem>> -> memref<128xi32, #tpu.memory_space<vmem>>
      %dma_start3A_264 = arith.constant 0 : i32
      %dma_start3A_265 = arith.constant 0 : i32
      %dma_start3A_266 = tpu.memref_slice %arg2[%dma_start3A_264, %dma_start3A_265] : memref<49152x32xf32, #tpu.memory_space<hbm>> -> memref<49152x32xf32, #tpu.memory_space<hbm>>
      tpu.enqueue_indirect_dma source(%dma_start3A_266 : memref<49152x32xf32, #tpu.memory_space<hbm>>) target(%dma_start3A_260 : memref<128x32xf32, #tpu.memory_space<vmem>>) offsets(%dma_start3A_263 : memref<128xi32, #tpu.memory_space<vmem>>) semaphore(%arg7 : memref<!tpu.dma_semaphore, #tpu.memory_space<semaphore_mem>>)
      %dma_wait3A = arith.constant 0 : i32
      %dma_wait3A_267 = arith.constant 0 : i32
      %dma_wait3A_268 = arith.constant 0 : i32
      %dma_wait3A_269 = tpu.memref_slice %arg6[%dma_wait3A_267, %dma_wait3A_268] : memref<3072x32xf32, #tpu.memory_space<vmem>> -> memref<128x32xf32, #tpu.memory_space<vmem>>
      %dma_wait3A_270 = arith.constant 0 : i32
      %dma_wait3A_271 = tpu.memref_slice %arg5[%dma_wait3A, %dma_wait3A_270] : memref<24x128xi32, #tpu.memory_space<vmem>> -> memref<1x128xi32, #tpu.memory_space<vmem>>
      %dma_wait3A_272 = tpu.memref_squeeze %dma_wait3A_271 : memref<1x128xi32, #tpu.memory_space<vmem>> -> memref<128xi32, #tpu.memory_space<vmem>>
      %dma_wait3A_273 = arith.constant 0 : i32
      %dma_wait3A_274 = arith.constant 0 : i32
      %dma_wait3A_275 = tpu.memref_slice %arg2[%dma_wait3A_273, %dma_wait3A_274] : memref<49152x32xf32, #tpu.memory_space<hbm>> -> memref<49152x32xf32, #tpu.memory_space<hbm>>
      tpu.wait_indirect_dma semaphore(%arg7 : memref<!tpu.dma_semaphore, #tpu.memory_space<semaphore_mem>>) src(%dma_wait3A_275 : memref<49152x32xf32, #tpu.memory_space<hbm>>) dst(%dma_wait3A_269 : memref<128x32xf32, #tpu.memory_space<vmem>>)
      %dma_wait3A_276 = arith.constant 1 : i32
      %dma_wait3A_277 = arith.constant 128 : i32
      %dma_wait3A_278 = arith.constant 0 : i32
      %dma_wait3A_279 = tpu.memref_slice %arg6[%dma_wait3A_277, %dma_wait3A_278] : memref<3072x32xf32, #tpu.memory_space<vmem>> -> memref<128x32xf32, #tpu.memory_space<vmem>>
      %dma_wait3A_280 = arith.constant 0 : i32
      %dma_wait3A_281 = tpu.memref_slice %arg5[%dma_wait3A_276, %dma_wait3A_280] : memref<24x128xi32, #tpu.memory_space<vmem>> -> memref<1x128xi32, #tpu.memory_space<vmem>>
      %dma_wait3A_282 = tpu.memref_squeeze %dma_wait3A_281 : memref<1x128xi32, #tpu.memory_space<vmem>> -> memref<128xi32, #tpu.memory_space<vmem>>
      %dma_wait3A_283 = arith.constant 0 : i32
      %dma_wait3A_284 = arith.constant 0 : i32
      %dma_wait3A_285 = tpu.memref_slice %arg2[%dma_wait3A_283, %dma_wait3A_284] : memref<49152x32xf32, #tpu.memory_space<hbm>> -> memref<49152x32xf32, #tpu.memory_space<hbm>>
      tpu.wait_indirect_dma semaphore(%arg7 : memref<!tpu.dma_semaphore, #tpu.memory_space<semaphore_mem>>) src(%dma_wait3A_285 : memref<49152x32xf32, #tpu.memory_space<hbm>>) dst(%dma_wait3A_279 : memref<128x32xf32, #tpu.memory_space<vmem>>)
      %dma_wait3A_286 = arith.constant 2 : i32
      %dma_wait3A_287 = arith.constant 256 : i32
      %dma_wait3A_288 = arith.constant 0 : i32
      %dma_wait3A_289 = tpu.memref_slice %arg6[%dma_wait3A_287, %dma_wait3A_288] : memref<3072x32xf32, #tpu.memory_space<vmem>> -> memref<128x32xf32, #tpu.memory_space<vmem>>
      %dma_wait3A_290 = arith.constant 0 : i32
      %dma_wait3A_291 = tpu.memref_slice %arg5[%dma_wait3A_286, %dma_wait3A_290] : memref<24x128xi32, #tpu.memory_space<vmem>> -> memref<1x128xi32, #tpu.memory_space<vmem>>
      %dma_wait3A_292 = tpu.memref_squeeze %dma_wait3A_291 : memref<1x128xi32, #tpu.memory_space<vmem>> -> memref<128xi32, #tpu.memory_space<vmem>>
      %dma_wait3A_293 = arith.constant 0 : i32
      %dma_wait3A_294 = arith.constant 0 : i32
      %dma_wait3A_295 = tpu.memref_slice %arg2[%dma_wait3A_293, %dma_wait3A_294] : memref<49152x32xf32, #tpu.memory_space<hbm>> -> memref<49152x32xf32, #tpu.memory_space<hbm>>
      tpu.wait_indirect_dma semaphore(%arg7 : memref<!tpu.dma_semaphore, #tpu.memory_space<semaphore_mem>>) src(%dma_wait3A_295 : memref<49152x32xf32, #tpu.memory_space<hbm>>) dst(%dma_wait3A_289 : memref<128x32xf32, #tpu.memory_space<vmem>>)
      %dma_wait3A_296 = arith.constant 3 : i32
      %dma_wait3A_297 = arith.constant 384 : i32
      %dma_wait3A_298 = arith.constant 0 : i32
      %dma_wait3A_299 = tpu.memref_slice %arg6[%dma_wait3A_297, %dma_wait3A_298] : memref<3072x32xf32, #tpu.memory_space<vmem>> -> memref<128x32xf32, #tpu.memory_space<vmem>>
      %dma_wait3A_300 = arith.constant 0 : i32
      %dma_wait3A_301 = tpu.memref_slice %arg5[%dma_wait3A_296, %dma_wait3A_300] : memref<24x128xi32, #tpu.memory_space<vmem>> -> memref<1x128xi32, #tpu.memory_space<vmem>>
      %dma_wait3A_302 = tpu.memref_squeeze %dma_wait3A_301 : memref<1x128xi32, #tpu.memory_space<vmem>> -> memref<128xi32, #tpu.memory_space<vmem>>
      %dma_wait3A_303 = arith.constant 0 : i32
      %dma_wait3A_304 = arith.constant 0 : i32
      %dma_wait3A_305 = tpu.memref_slice %arg2[%dma_wait3A_303, %dma_wait3A_304] : memref<49152x32xf32, #tpu.memory_space<hbm>> -> memref<49152x32xf32, #tpu.memory_space<hbm>>
      tpu.wait_indirect_dma semaphore(%arg7 : memref<!tpu.dma_semaphore, #tpu.memory_space<semaphore_mem>>) src(%dma_wait3A_305 : memref<49152x32xf32, #tpu.memory_space<hbm>>) dst(%dma_wait3A_299 : memref<128x32xf32, #tpu.memory_space<vmem>>)
      %dma_wait3A_306 = arith.constant 4 : i32
      %dma_wait3A_307 = arith.constant 512 : i32
      %dma_wait3A_308 = arith.constant 0 : i32
      %dma_wait3A_309 = tpu.memref_slice %arg6[%dma_wait3A_307, %dma_wait3A_308] : memref<3072x32xf32, #tpu.memory_space<vmem>> -> memref<128x32xf32, #tpu.memory_space<vmem>>
      %dma_wait3A_310 = arith.constant 0 : i32
      %dma_wait3A_311 = tpu.memref_slice %arg5[%dma_wait3A_306, %dma_wait3A_310] : memref<24x128xi32, #tpu.memory_space<vmem>> -> memref<1x128xi32, #tpu.memory_space<vmem>>
      %dma_wait3A_312 = tpu.memref_squeeze %dma_wait3A_311 : memref<1x128xi32, #tpu.memory_space<vmem>> -> memref<128xi32, #tpu.memory_space<vmem>>
      %dma_wait3A_313 = arith.constant 0 : i32
      %dma_wait3A_314 = arith.constant 0 : i32
      %dma_wait3A_315 = tpu.memref_slice %arg2[%dma_wait3A_313, %dma_wait3A_314] : memref<49152x32xf32, #tpu.memory_space<hbm>> -> memref<49152x32xf32, #tpu.memory_space<hbm>>
      tpu.wait_indirect_dma semaphore(%arg7 : memref<!tpu.dma_semaphore, #tpu.memory_space<semaphore_mem>>) src(%dma_wait3A_315 : memref<49152x32xf32, #tpu.memory_space<hbm>>) dst(%dma_wait3A_309 : memref<128x32xf32, #tpu.memory_space<vmem>>)
      %dma_wait3A_316 = arith.constant 5 : i32
      %dma_wait3A_317 = arith.constant 640 : i32
      %dma_wait3A_318 = arith.constant 0 : i32
      %dma_wait3A_319 = tpu.memref_slice %arg6[%dma_wait3A_317, %dma_wait3A_318] : memref<3072x32xf32, #tpu.memory_space<vmem>> -> memref<128x32xf32, #tpu.memory_space<vmem>>
      %dma_wait3A_320 = arith.constant 0 : i32
      %dma_wait3A_321 = tpu.memref_slice %arg5[%dma_wait3A_316, %dma_wait3A_320] : memref<24x128xi32, #tpu.memory_space<vmem>> -> memref<1x128xi32, #tpu.memory_space<vmem>>
      %dma_wait3A_322 = tpu.memref_squeeze %dma_wait3A_321 : memref<1x128xi32, #tpu.memory_space<vmem>> -> memref<128xi32, #tpu.memory_space<vmem>>
      %dma_wait3A_323 = arith.constant 0 : i32
      %dma_wait3A_324 = arith.constant 0 : i32
      %dma_wait3A_325 = tpu.memref_slice %arg2[%dma_wait3A_323, %dma_wait3A_324] : memref<49152x32xf32, #tpu.memory_space<hbm>> -> memref<49152x32xf32, #tpu.memory_space<hbm>>
      tpu.wait_indirect_dma semaphore(%arg7 : memref<!tpu.dma_semaphore, #tpu.memory_space<semaphore_mem>>) src(%dma_wait3A_325 : memref<49152x32xf32, #tpu.memory_space<hbm>>) dst(%dma_wait3A_319 : memref<128x32xf32, #tpu.memory_space<vmem>>)
      %dma_wait3A_326 = arith.constant 6 : i32
      %dma_wait3A_327 = arith.constant 768 : i32
      %dma_wait3A_328 = arith.constant 0 : i32
      %dma_wait3A_329 = tpu.memref_slice %arg6[%dma_wait3A_327, %dma_wait3A_328] : memref<3072x32xf32, #tpu.memory_space<vmem>> -> memref<128x32xf32, #tpu.memory_space<vmem>>
      %dma_wait3A_330 = arith.constant 0 : i32
      %dma_wait3A_331 = tpu.memref_slice %arg5[%dma_wait3A_326, %dma_wait3A_330] : memref<24x128xi32, #tpu.memory_space<vmem>> -> memref<1x128xi32, #tpu.memory_space<vmem>>
      %dma_wait3A_332 = tpu.memref_squeeze %dma_wait3A_331 : memref<1x128xi32, #tpu.memory_space<vmem>> -> memref<128xi32, #tpu.memory_space<vmem>>
      %dma_wait3A_333 = arith.constant 0 : i32
      %dma_wait3A_334 = arith.constant 0 : i32
      %dma_wait3A_335 = tpu.memref_slice %arg2[%dma_wait3A_333, %dma_wait3A_334] : memref<49152x32xf32, #tpu.memory_space<hbm>> -> memref<49152x32xf32, #tpu.memory_space<hbm>>
      tpu.wait_indirect_dma semaphore(%arg7 : memref<!tpu.dma_semaphore, #tpu.memory_space<semaphore_mem>>) src(%dma_wait3A_335 : memref<49152x32xf32, #tpu.memory_space<hbm>>) dst(%dma_wait3A_329 : memref<128x32xf32, #tpu.memory_space<vmem>>)
      %dma_wait3A_336 = arith.constant 7 : i32
      %dma_wait3A_337 = arith.constant 896 : i32
      %dma_wait3A_338 = arith.constant 0 : i32
      %dma_wait3A_339 = tpu.memref_slice %arg6[%dma_wait3A_337, %dma_wait3A_338] : memref<3072x32xf32, #tpu.memory_space<vmem>> -> memref<128x32xf32, #tpu.memory_space<vmem>>
      %dma_wait3A_340 = arith.constant 0 : i32
      %dma_wait3A_341 = tpu.memref_slice %arg5[%dma_wait3A_336, %dma_wait3A_340] : memref<24x128xi32, #tpu.memory_space<vmem>> -> memref<1x128xi32, #tpu.memory_space<vmem>>
      %dma_wait3A_342 = tpu.memref_squeeze %dma_wait3A_341 : memref<1x128xi32, #tpu.memory_space<vmem>> -> memref<128xi32, #tpu.memory_space<vmem>>
      %dma_wait3A_343 = arith.constant 0 : i32
      %dma_wait3A_344 = arith.constant 0 : i32
      %dma_wait3A_345 = tpu.memref_slice %arg2[%dma_wait3A_343, %dma_wait3A_344] : memref<49152x32xf32, #tpu.memory_space<hbm>> -> memref<49152x32xf32, #tpu.memory_space<hbm>>
      tpu.wait_indirect_dma semaphore(%arg7 : memref<!tpu.dma_semaphore, #tpu.memory_space<semaphore_mem>>) src(%dma_wait3A_345 : memref<49152x32xf32, #tpu.memory_space<hbm>>) dst(%dma_wait3A_339 : memref<128x32xf32, #tpu.memory_space<vmem>>)
      %dma_wait3A_346 = arith.constant 8 : i32
      %dma_wait3A_347 = arith.constant 1024 : i32
      %dma_wait3A_348 = arith.constant 0 : i32
      %dma_wait3A_349 = tpu.memref_slice %arg6[%dma_wait3A_347, %dma_wait3A_348] : memref<3072x32xf32, #tpu.memory_space<vmem>> -> memref<128x32xf32, #tpu.memory_space<vmem>>
      %dma_wait3A_350 = arith.constant 0 : i32
      %dma_wait3A_351 = tpu.memref_slice %arg5[%dma_wait3A_346, %dma_wait3A_350] : memref<24x128xi32, #tpu.memory_space<vmem>> -> memref<1x128xi32, #tpu.memory_space<vmem>>
      %dma_wait3A_352 = tpu.memref_squeeze %dma_wait3A_351 : memref<1x128xi32, #tpu.memory_space<vmem>> -> memref<128xi32, #tpu.memory_space<vmem>>
      %dma_wait3A_353 = arith.constant 0 : i32
      %dma_wait3A_354 = arith.constant 0 : i32
      %dma_wait3A_355 = tpu.memref_slice %arg2[%dma_wait3A_353, %dma_wait3A_354] : memref<49152x32xf32, #tpu.memory_space<hbm>> -> memref<49152x32xf32, #tpu.memory_space<hbm>>
      tpu.wait_indirect_dma semaphore(%arg7 : memref<!tpu.dma_semaphore, #tpu.memory_space<semaphore_mem>>) src(%dma_wait3A_355 : memref<49152x32xf32, #tpu.memory_space<hbm>>) dst(%dma_wait3A_349 : memref<128x32xf32, #tpu.memory_space<vmem>>)
      %dma_wait3A_356 = arith.constant 9 : i32
      %dma_wait3A_357 = arith.constant 1152 : i32
      %dma_wait3A_358 = arith.constant 0 : i32
      %dma_wait3A_359 = tpu.memref_slice %arg6[%dma_wait3A_357, %dma_wait3A_358] : memref<3072x32xf32, #tpu.memory_space<vmem>> -> memref<128x32xf32, #tpu.memory_space<vmem>>
      %dma_wait3A_360 = arith.constant 0 : i32
      %dma_wait3A_361 = tpu.memref_slice %arg5[%dma_wait3A_356, %dma_wait3A_360] : memref<24x128xi32, #tpu.memory_space<vmem>> -> memref<1x128xi32, #tpu.memory_space<vmem>>
      %dma_wait3A_362 = tpu.memref_squeeze %dma_wait3A_361 : memref<1x128xi32, #tpu.memory_space<vmem>> -> memref<128xi32, #tpu.memory_space<vmem>>
      %dma_wait3A_363 = arith.constant 0 : i32
      %dma_wait3A_364 = arith.constant 0 : i32
      %dma_wait3A_365 = tpu.memref_slice %arg2[%dma_wait3A_363, %dma_wait3A_364] : memref<49152x32xf32, #tpu.memory_space<hbm>> -> memref<49152x32xf32, #tpu.memory_space<hbm>>
      tpu.wait_indirect_dma semaphore(%arg7 : memref<!tpu.dma_semaphore, #tpu.memory_space<semaphore_mem>>) src(%dma_wait3A_365 : memref<49152x32xf32, #tpu.memory_space<hbm>>) dst(%dma_wait3A_359 : memref<128x32xf32, #tpu.memory_space<vmem>>)
      %dma_wait3A_366 = arith.constant 10 : i32
      %dma_wait3A_367 = arith.constant 1280 : i32
      %dma_wait3A_368 = arith.constant 0 : i32
      %dma_wait3A_369 = tpu.memref_slice %arg6[%dma_wait3A_367, %dma_wait3A_368] : memref<3072x32xf32, #tpu.memory_space<vmem>> -> memref<128x32xf32, #tpu.memory_space<vmem>>
      %dma_wait3A_370 = arith.constant 0 : i32
      %dma_wait3A_371 = tpu.memref_slice %arg5[%dma_wait3A_366, %dma_wait3A_370] : memref<24x128xi32, #tpu.memory_space<vmem>> -> memref<1x128xi32, #tpu.memory_space<vmem>>
      %dma_wait3A_372 = tpu.memref_squeeze %dma_wait3A_371 : memref<1x128xi32, #tpu.memory_space<vmem>> -> memref<128xi32, #tpu.memory_space<vmem>>
      %dma_wait3A_373 = arith.constant 0 : i32
      %dma_wait3A_374 = arith.constant 0 : i32
      %dma_wait3A_375 = tpu.memref_slice %arg2[%dma_wait3A_373, %dma_wait3A_374] : memref<49152x32xf32, #tpu.memory_space<hbm>> -> memref<49152x32xf32, #tpu.memory_space<hbm>>
      tpu.wait_indirect_dma semaphore(%arg7 : memref<!tpu.dma_semaphore, #tpu.memory_space<semaphore_mem>>) src(%dma_wait3A_375 : memref<49152x32xf32, #tpu.memory_space<hbm>>) dst(%dma_wait3A_369 : memref<128x32xf32, #tpu.memory_space<vmem>>)
      %dma_wait3A_376 = arith.constant 11 : i32
      %dma_wait3A_377 = arith.constant 1408 : i32
      %dma_wait3A_378 = arith.constant 0 : i32
      %dma_wait3A_379 = tpu.memref_slice %arg6[%dma_wait3A_377, %dma_wait3A_378] : memref<3072x32xf32, #tpu.memory_space<vmem>> -> memref<128x32xf32, #tpu.memory_space<vmem>>
      %dma_wait3A_380 = arith.constant 0 : i32
      %dma_wait3A_381 = tpu.memref_slice %arg5[%dma_wait3A_376, %dma_wait3A_380] : memref<24x128xi32, #tpu.memory_space<vmem>> -> memref<1x128xi32, #tpu.memory_space<vmem>>
      %dma_wait3A_382 = tpu.memref_squeeze %dma_wait3A_381 : memref<1x128xi32, #tpu.memory_space<vmem>> -> memref<128xi32, #tpu.memory_space<vmem>>
      %dma_wait3A_383 = arith.constant 0 : i32
      %dma_wait3A_384 = arith.constant 0 : i32
      %dma_wait3A_385 = tpu.memref_slice %arg2[%dma_wait3A_383, %dma_wait3A_384] : memref<49152x32xf32, #tpu.memory_space<hbm>> -> memref<49152x32xf32, #tpu.memory_space<hbm>>
      tpu.wait_indirect_dma semaphore(%arg7 : memref<!tpu.dma_semaphore, #tpu.memory_space<semaphore_mem>>) src(%dma_wait3A_385 : memref<49152x32xf32, #tpu.memory_space<hbm>>) dst(%dma_wait3A_379 : memref<128x32xf32, #tpu.memory_space<vmem>>)
      %dma_wait3A_386 = arith.constant 12 : i32
      %dma_wait3A_387 = arith.constant 1536 : i32
      %dma_wait3A_388 = arith.constant 0 : i32
      %dma_wait3A_389 = tpu.memref_slice %arg6[%dma_wait3A_387, %dma_wait3A_388] : memref<3072x32xf32, #tpu.memory_space<vmem>> -> memref<128x32xf32, #tpu.memory_space<vmem>>
      %dma_wait3A_390 = arith.constant 0 : i32
      %dma_wait3A_391 = tpu.memref_slice %arg5[%dma_wait3A_386, %dma_wait3A_390] : memref<24x128xi32, #tpu.memory_space<vmem>> -> memref<1x128xi32, #tpu.memory_space<vmem>>
      %dma_wait3A_392 = tpu.memref_squeeze %dma_wait3A_391 : memref<1x128xi32, #tpu.memory_space<vmem>> -> memref<128xi32, #tpu.memory_space<vmem>>
      %dma_wait3A_393 = arith.constant 0 : i32
      %dma_wait3A_394 = arith.constant 0 : i32
      %dma_wait3A_395 = tpu.memref_slice %arg2[%dma_wait3A_393, %dma_wait3A_394] : memref<49152x32xf32, #tpu.memory_space<hbm>> -> memref<49152x32xf32, #tpu.memory_space<hbm>>
      tpu.wait_indirect_dma semaphore(%arg7 : memref<!tpu.dma_semaphore, #tpu.memory_space<semaphore_mem>>) src(%dma_wait3A_395 : memref<49152x32xf32, #tpu.memory_space<hbm>>) dst(%dma_wait3A_389 : memref<128x32xf32, #tpu.memory_space<vmem>>)
      %dma_wait3A_396 = arith.constant 13 : i32
      %dma_wait3A_397 = arith.constant 1664 : i32
      %dma_wait3A_398 = arith.constant 0 : i32
      %dma_wait3A_399 = tpu.memref_slice %arg6[%dma_wait3A_397, %dma_wait3A_398] : memref<3072x32xf32, #tpu.memory_space<vmem>> -> memref<128x32xf32, #tpu.memory_space<vmem>>
      %dma_wait3A_400 = arith.constant 0 : i32
      %dma_wait3A_401 = tpu.memref_slice %arg5[%dma_wait3A_396, %dma_wait3A_400] : memref<24x128xi32, #tpu.memory_space<vmem>> -> memref<1x128xi32, #tpu.memory_space<vmem>>
      %dma_wait3A_402 = tpu.memref_squeeze %dma_wait3A_401 : memref<1x128xi32, #tpu.memory_space<vmem>> -> memref<128xi32, #tpu.memory_space<vmem>>
      %dma_wait3A_403 = arith.constant 0 : i32
      %dma_wait3A_404 = arith.constant 0 : i32
      %dma_wait3A_405 = tpu.memref_slice %arg2[%dma_wait3A_403, %dma_wait3A_404] : memref<49152x32xf32, #tpu.memory_space<hbm>> -> memref<49152x32xf32, #tpu.memory_space<hbm>>
      tpu.wait_indirect_dma semaphore(%arg7 : memref<!tpu.dma_semaphore, #tpu.memory_space<semaphore_mem>>) src(%dma_wait3A_405 : memref<49152x32xf32, #tpu.memory_space<hbm>>) dst(%dma_wait3A_399 : memref<128x32xf32, #tpu.memory_space<vmem>>)
      %dma_wait3A_406 = arith.constant 14 : i32
      %dma_wait3A_407 = arith.constant 1792 : i32
      %dma_wait3A_408 = arith.constant 0 : i32
      %dma_wait3A_409 = tpu.memref_slice %arg6[%dma_wait3A_407, %dma_wait3A_408] : memref<3072x32xf32, #tpu.memory_space<vmem>> -> memref<128x32xf32, #tpu.memory_space<vmem>>
      %dma_wait3A_410 = arith.constant 0 : i32
      %dma_wait3A_411 = tpu.memref_slice %arg5[%dma_wait3A_406, %dma_wait3A_410] : memref<24x128xi32, #tpu.memory_space<vmem>> -> memref<1x128xi32, #tpu.memory_space<vmem>>
      %dma_wait3A_412 = tpu.memref_squeeze %dma_wait3A_411 : memref<1x128xi32, #tpu.memory_space<vmem>> -> memref<128xi32, #tpu.memory_space<vmem>>
      %dma_wait3A_413 = arith.constant 0 : i32
      %dma_wait3A_414 = arith.constant 0 : i32
      %dma_wait3A_415 = tpu.memref_slice %arg2[%dma_wait3A_413, %dma_wait3A_414] : memref<49152x32xf32, #tpu.memory_space<hbm>> -> memref<49152x32xf32, #tpu.memory_space<hbm>>
      tpu.wait_indirect_dma semaphore(%arg7 : memref<!tpu.dma_semaphore, #tpu.memory_space<semaphore_mem>>) src(%dma_wait3A_415 : memref<49152x32xf32, #tpu.memory_space<hbm>>) dst(%dma_wait3A_409 : memref<128x32xf32, #tpu.memory_space<vmem>>)
      %dma_wait3A_416 = arith.constant 15 : i32
      %dma_wait3A_417 = arith.constant 1920 : i32
      %dma_wait3A_418 = arith.constant 0 : i32
      %dma_wait3A_419 = tpu.memref_slice %arg6[%dma_wait3A_417, %dma_wait3A_418] : memref<3072x32xf32, #tpu.memory_space<vmem>> -> memref<128x32xf32, #tpu.memory_space<vmem>>
      %dma_wait3A_420 = arith.constant 0 : i32
      %dma_wait3A_421 = tpu.memref_slice %arg5[%dma_wait3A_416, %dma_wait3A_420] : memref<24x128xi32, #tpu.memory_space<vmem>> -> memref<1x128xi32, #tpu.memory_space<vmem>>
      %dma_wait3A_422 = tpu.memref_squeeze %dma_wait3A_421 : memref<1x128xi32, #tpu.memory_space<vmem>> -> memref<128xi32, #tpu.memory_space<vmem>>
      %dma_wait3A_423 = arith.constant 0 : i32
      %dma_wait3A_424 = arith.constant 0 : i32
      %dma_wait3A_425 = tpu.memref_slice %arg2[%dma_wait3A_423, %dma_wait3A_424] : memref<49152x32xf32, #tpu.memory_space<hbm>> -> memref<49152x32xf32, #tpu.memory_space<hbm>>
      tpu.wait_indirect_dma semaphore(%arg7 : memref<!tpu.dma_semaphore, #tpu.memory_space<semaphore_mem>>) src(%dma_wait3A_425 : memref<49152x32xf32, #tpu.memory_space<hbm>>) dst(%dma_wait3A_419 : memref<128x32xf32, #tpu.memory_space<vmem>>)
      %dma_wait3A_426 = arith.constant 16 : i32
      %dma_wait3A_427 = arith.constant 2048 : i32
      %dma_wait3A_428 = arith.constant 0 : i32
      %dma_wait3A_429 = tpu.memref_slice %arg6[%dma_wait3A_427, %dma_wait3A_428] : memref<3072x32xf32, #tpu.memory_space<vmem>> -> memref<128x32xf32, #tpu.memory_space<vmem>>
      %dma_wait3A_430 = arith.constant 0 : i32
      %dma_wait3A_431 = tpu.memref_slice %arg5[%dma_wait3A_426, %dma_wait3A_430] : memref<24x128xi32, #tpu.memory_space<vmem>> -> memref<1x128xi32, #tpu.memory_space<vmem>>
      %dma_wait3A_432 = tpu.memref_squeeze %dma_wait3A_431 : memref<1x128xi32, #tpu.memory_space<vmem>> -> memref<128xi32, #tpu.memory_space<vmem>>
      %dma_wait3A_433 = arith.constant 0 : i32
      %dma_wait3A_434 = arith.constant 0 : i32
      %dma_wait3A_435 = tpu.memref_slice %arg2[%dma_wait3A_433, %dma_wait3A_434] : memref<49152x32xf32, #tpu.memory_space<hbm>> -> memref<49152x32xf32, #tpu.memory_space<hbm>>
      tpu.wait_indirect_dma semaphore(%arg7 : memref<!tpu.dma_semaphore, #tpu.memory_space<semaphore_mem>>) src(%dma_wait3A_435 : memref<49152x32xf32, #tpu.memory_space<hbm>>) dst(%dma_wait3A_429 : memref<128x32xf32, #tpu.memory_space<vmem>>)
      %dma_wait3A_436 = arith.constant 17 : i32
      %dma_wait3A_437 = arith.constant 2176 : i32
      %dma_wait3A_438 = arith.constant 0 : i32
      %dma_wait3A_439 = tpu.memref_slice %arg6[%dma_wait3A_437, %dma_wait3A_438] : memref<3072x32xf32, #tpu.memory_space<vmem>> -> memref<128x32xf32, #tpu.memory_space<vmem>>
      %dma_wait3A_440 = arith.constant 0 : i32
      %dma_wait3A_441 = tpu.memref_slice %arg5[%dma_wait3A_436, %dma_wait3A_440] : memref<24x128xi32, #tpu.memory_space<vmem>> -> memref<1x128xi32, #tpu.memory_space<vmem>>
      %dma_wait3A_442 = tpu.memref_squeeze %dma_wait3A_441 : memref<1x128xi32, #tpu.memory_space<vmem>> -> memref<128xi32, #tpu.memory_space<vmem>>
      %dma_wait3A_443 = arith.constant 0 : i32
      %dma_wait3A_444 = arith.constant 0 : i32
      %dma_wait3A_445 = tpu.memref_slice %arg2[%dma_wait3A_443, %dma_wait3A_444] : memref<49152x32xf32, #tpu.memory_space<hbm>> -> memref<49152x32xf32, #tpu.memory_space<hbm>>
      tpu.wait_indirect_dma semaphore(%arg7 : memref<!tpu.dma_semaphore, #tpu.memory_space<semaphore_mem>>) src(%dma_wait3A_445 : memref<49152x32xf32, #tpu.memory_space<hbm>>) dst(%dma_wait3A_439 : memref<128x32xf32, #tpu.memory_space<vmem>>)
      %dma_wait3A_446 = arith.constant 18 : i32
      %dma_wait3A_447 = arith.constant 2304 : i32
      %dma_wait3A_448 = arith.constant 0 : i32
      %dma_wait3A_449 = tpu.memref_slice %arg6[%dma_wait3A_447, %dma_wait3A_448] : memref<3072x32xf32, #tpu.memory_space<vmem>> -> memref<128x32xf32, #tpu.memory_space<vmem>>
      %dma_wait3A_450 = arith.constant 0 : i32
      %dma_wait3A_451 = tpu.memref_slice %arg5[%dma_wait3A_446, %dma_wait3A_450] : memref<24x128xi32, #tpu.memory_space<vmem>> -> memref<1x128xi32, #tpu.memory_space<vmem>>
      %dma_wait3A_452 = tpu.memref_squeeze %dma_wait3A_451 : memref<1x128xi32, #tpu.memory_space<vmem>> -> memref<128xi32, #tpu.memory_space<vmem>>
      %dma_wait3A_453 = arith.constant 0 : i32
      %dma_wait3A_454 = arith.constant 0 : i32
      %dma_wait3A_455 = tpu.memref_slice %arg2[%dma_wait3A_453, %dma_wait3A_454] : memref<49152x32xf32, #tpu.memory_space<hbm>> -> memref<49152x32xf32, #tpu.memory_space<hbm>>
      tpu.wait_indirect_dma semaphore(%arg7 : memref<!tpu.dma_semaphore, #tpu.memory_space<semaphore_mem>>) src(%dma_wait3A_455 : memref<49152x32xf32, #tpu.memory_space<hbm>>) dst(%dma_wait3A_449 : memref<128x32xf32, #tpu.memory_space<vmem>>)
      %dma_wait3A_456 = arith.constant 19 : i32
      %dma_wait3A_457 = arith.constant 2432 : i32
      %dma_wait3A_458 = arith.constant 0 : i32
      %dma_wait3A_459 = tpu.memref_slice %arg6[%dma_wait3A_457, %dma_wait3A_458] : memref<3072x32xf32, #tpu.memory_space<vmem>> -> memref<128x32xf32, #tpu.memory_space<vmem>>
      %dma_wait3A_460 = arith.constant 0 : i32
      %dma_wait3A_461 = tpu.memref_slice %arg5[%dma_wait3A_456, %dma_wait3A_460] : memref<24x128xi32, #tpu.memory_space<vmem>> -> memref<1x128xi32, #tpu.memory_space<vmem>>
      %dma_wait3A_462 = tpu.memref_squeeze %dma_wait3A_461 : memref<1x128xi32, #tpu.memory_space<vmem>> -> memref<128xi32, #tpu.memory_space<vmem>>
      %dma_wait3A_463 = arith.constant 0 : i32
      %dma_wait3A_464 = arith.constant 0 : i32
      %dma_wait3A_465 = tpu.memref_slice %arg2[%dma_wait3A_463, %dma_wait3A_464] : memref<49152x32xf32, #tpu.memory_space<hbm>> -> memref<49152x32xf32, #tpu.memory_space<hbm>>
      tpu.wait_indirect_dma semaphore(%arg7 : memref<!tpu.dma_semaphore, #tpu.memory_space<semaphore_mem>>) src(%dma_wait3A_465 : memref<49152x32xf32, #tpu.memory_space<hbm>>) dst(%dma_wait3A_459 : memref<128x32xf32, #tpu.memory_space<vmem>>)
      %dma_wait3A_466 = arith.constant 20 : i32
      %dma_wait3A_467 = arith.constant 2560 : i32
      %dma_wait3A_468 = arith.constant 0 : i32
      %dma_wait3A_469 = tpu.memref_slice %arg6[%dma_wait3A_467, %dma_wait3A_468] : memref<3072x32xf32, #tpu.memory_space<vmem>> -> memref<128x32xf32, #tpu.memory_space<vmem>>
      %dma_wait3A_470 = arith.constant 0 : i32
      %dma_wait3A_471 = tpu.memref_slice %arg5[%dma_wait3A_466, %dma_wait3A_470] : memref<24x128xi32, #tpu.memory_space<vmem>> -> memref<1x128xi32, #tpu.memory_space<vmem>>
      %dma_wait3A_472 = tpu.memref_squeeze %dma_wait3A_471 : memref<1x128xi32, #tpu.memory_space<vmem>> -> memref<128xi32, #tpu.memory_space<vmem>>
      %dma_wait3A_473 = arith.constant 0 : i32
      %dma_wait3A_474 = arith.constant 0 : i32
      %dma_wait3A_475 = tpu.memref_slice %arg2[%dma_wait3A_473, %dma_wait3A_474] : memref<49152x32xf32, #tpu.memory_space<hbm>> -> memref<49152x32xf32, #tpu.memory_space<hbm>>
      tpu.wait_indirect_dma semaphore(%arg7 : memref<!tpu.dma_semaphore, #tpu.memory_space<semaphore_mem>>) src(%dma_wait3A_475 : memref<49152x32xf32, #tpu.memory_space<hbm>>) dst(%dma_wait3A_469 : memref<128x32xf32, #tpu.memory_space<vmem>>)
      %dma_wait3A_476 = arith.constant 21 : i32
      %dma_wait3A_477 = arith.constant 2688 : i32
      %dma_wait3A_478 = arith.constant 0 : i32
      %dma_wait3A_479 = tpu.memref_slice %arg6[%dma_wait3A_477, %dma_wait3A_478] : memref<3072x32xf32, #tpu.memory_space<vmem>> -> memref<128x32xf32, #tpu.memory_space<vmem>>
      %dma_wait3A_480 = arith.constant 0 : i32
      %dma_wait3A_481 = tpu.memref_slice %arg5[%dma_wait3A_476, %dma_wait3A_480] : memref<24x128xi32, #tpu.memory_space<vmem>> -> memref<1x128xi32, #tpu.memory_space<vmem>>
      %dma_wait3A_482 = tpu.memref_squeeze %dma_wait3A_481 : memref<1x128xi32, #tpu.memory_space<vmem>> -> memref<128xi32, #tpu.memory_space<vmem>>
      %dma_wait3A_483 = arith.constant 0 : i32
      %dma_wait3A_484 = arith.constant 0 : i32
      %dma_wait3A_485 = tpu.memref_slice %arg2[%dma_wait3A_483, %dma_wait3A_484] : memref<49152x32xf32, #tpu.memory_space<hbm>> -> memref<49152x32xf32, #tpu.memory_space<hbm>>
      tpu.wait_indirect_dma semaphore(%arg7 : memref<!tpu.dma_semaphore, #tpu.memory_space<semaphore_mem>>) src(%dma_wait3A_485 : memref<49152x32xf32, #tpu.memory_space<hbm>>) dst(%dma_wait3A_479 : memref<128x32xf32, #tpu.memory_space<vmem>>)
      %dma_wait3A_486 = arith.constant 22 : i32
      %dma_wait3A_487 = arith.constant 2816 : i32
      %dma_wait3A_488 = arith.constant 0 : i32
      %dma_wait3A_489 = tpu.memref_slice %arg6[%dma_wait3A_487, %dma_wait3A_488] : memref<3072x32xf32, #tpu.memory_space<vmem>> -> memref<128x32xf32, #tpu.memory_space<vmem>>
      %dma_wait3A_490 = arith.constant 0 : i32
      %dma_wait3A_491 = tpu.memref_slice %arg5[%dma_wait3A_486, %dma_wait3A_490] : memref<24x128xi32, #tpu.memory_space<vmem>> -> memref<1x128xi32, #tpu.memory_space<vmem>>
      %dma_wait3A_492 = tpu.memref_squeeze %dma_wait3A_491 : memref<1x128xi32, #tpu.memory_space<vmem>> -> memref<128xi32, #tpu.memory_space<vmem>>
      %dma_wait3A_493 = arith.constant 0 : i32
      %dma_wait3A_494 = arith.constant 0 : i32
      %dma_wait3A_495 = tpu.memref_slice %arg2[%dma_wait3A_493, %dma_wait3A_494] : memref<49152x32xf32, #tpu.memory_space<hbm>> -> memref<49152x32xf32, #tpu.memory_space<hbm>>
      tpu.wait_indirect_dma semaphore(%arg7 : memref<!tpu.dma_semaphore, #tpu.memory_space<semaphore_mem>>) src(%dma_wait3A_495 : memref<49152x32xf32, #tpu.memory_space<hbm>>) dst(%dma_wait3A_489 : memref<128x32xf32, #tpu.memory_space<vmem>>)
      %dma_wait3A_496 = arith.constant 23 : i32
      %dma_wait3A_497 = arith.constant 2944 : i32
      %dma_wait3A_498 = arith.constant 0 : i32
      %dma_wait3A_499 = tpu.memref_slice %arg6[%dma_wait3A_497, %dma_wait3A_498] : memref<3072x32xf32, #tpu.memory_space<vmem>> -> memref<128x32xf32, #tpu.memory_space<vmem>>
      %dma_wait3A_500 = arith.constant 0 : i32
      %dma_wait3A_501 = tpu.memref_slice %arg5[%dma_wait3A_496, %dma_wait3A_500] : memref<24x128xi32, #tpu.memory_space<vmem>> -> memref<1x128xi32, #tpu.memory_space<vmem>>
      %dma_wait3A_502 = tpu.memref_squeeze %dma_wait3A_501 : memref<1x128xi32, #tpu.memory_space<vmem>> -> memref<128xi32, #tpu.memory_space<vmem>>
      %dma_wait3A_503 = arith.constant 0 : i32
      %dma_wait3A_504 = arith.constant 0 : i32
      %dma_wait3A_505 = tpu.memref_slice %arg2[%dma_wait3A_503, %dma_wait3A_504] : memref<49152x32xf32, #tpu.memory_space<hbm>> -> memref<49152x32xf32, #tpu.memory_space<hbm>>
      tpu.wait_indirect_dma semaphore(%arg7 : memref<!tpu.dma_semaphore, #tpu.memory_space<semaphore_mem>>) src(%dma_wait3A_505 : memref<49152x32xf32, #tpu.memory_space<hbm>>) dst(%dma_wait3A_499 : memref<128x32xf32, #tpu.memory_space<vmem>>)
      "tpu.region"() ({
        %run_scoped3A = tpu.sem_alloc : memref<!tpu.dma_semaphore, #tpu.memory_space<semaphore_mem>>
        %dma_start3A_506 = arith.constant 0 : i32
        %dma_start3A_507 = tpu.memref_slice %arg4[%add3A_11, %dma_start3A_506] : memref<786432x32xf32, #tpu.memory_space<hbm>> -> memref<3072x32xf32, #tpu.memory_space<hbm>>
        %dma_start3A_508 = arith.constant 0 : i32
        %dma_start3A_509 = tpu.memref_slice %arg4[%add3A_11, %dma_start3A_508] : memref<786432x32xf32, #tpu.memory_space<hbm>> -> memref<3072x32xf32, #tpu.memory_space<hbm>>
        tpu.enqueue_dma source(%arg6 : memref<3072x32xf32, #tpu.memory_space<vmem>>) target(%dma_start3A_509 : memref<3072x32xf32, #tpu.memory_space<hbm>>) target_semaphore(%run_scoped3A : memref<!tpu.dma_semaphore, #tpu.memory_space<semaphore_mem>>)
        %dma_wait3A_510 = arith.constant 0 : i32
        %dma_wait3A_511 = tpu.memref_slice %arg4[%add3A_11, %dma_wait3A_510] : memref<786432x32xf32, #tpu.memory_space<hbm>> -> memref<3072x32xf32, #tpu.memory_space<hbm>>
        %dma_wait3A_512 = arith.constant 0 : i32
        %dma_wait3A_513 = tpu.memref_slice %arg4[%add3A_11, %dma_wait3A_512] : memref<786432x32xf32, #tpu.memory_space<hbm>> -> memref<3072x32xf32, #tpu.memory_space<hbm>>
        tpu.wait_dma2 semaphore(%run_scoped3A : memref<!tpu.dma_semaphore, #tpu.memory_space<semaphore_mem>>) src(%arg6 : memref<3072x32xf32, #tpu.memory_space<vmem>>) dst(%dma_wait3A_513 : memref<3072x32xf32, #tpu.memory_space<hbm>>)
        tpu.yield
      }) : () -> ()
    }
    %scan3A_7 = arith.constant 8 : i32
    return
  }
}

module attributes {stable_mosaic.version = 14 : i64} {
  func.func @_prep_body(%arg0: i32, %arg1: memref<1x1024x384xf32, #tpu.memory_space<vmem>>, %arg2: memref<384x384xf32, #tpu.memory_space<vmem>>, %arg3: memref<1x384xf32, #tpu.memory_space<vmem>>, %arg4: memref<384x96xf32, #tpu.memory_space<vmem>>, %arg5: memref<1x96xf32, #tpu.memory_space<vmem>>, %arg6: memref<384x48xf32, #tpu.memory_space<vmem>>, %arg7: memref<1x48xf32, #tpu.memory_space<vmem>>, %arg8: memref<1x1024x384xf32, #tpu.memory_space<vmem>>, %arg9: memref<1x1024x192xi32, #tpu.memory_space<vmem>>, %arg10: memref<1x1024x192xf32, #tpu.memory_space<vmem>>) attributes {dimension_semantics = [#tpu.dimension_semantics<arbitrary>], iteration_bounds = array<i64: 4>, scalar_prefetch = 0 : i64, scratch_operands = 0 : i64, tpu.core_type = #tpu.core_type<tc>, window_params = [{transform_indices = @transform_0, window_bounds = array<i64: 1, 1024, 384>}, {pipeline_mode = #tpu.pipeline_mode<synchronous>, transform_indices = @transform_1, window_bounds = array<i64: 384, 384>}, {pipeline_mode = #tpu.pipeline_mode<synchronous>, transform_indices = @transform_2, window_bounds = array<i64: 1, 384>}, {pipeline_mode = #tpu.pipeline_mode<synchronous>, transform_indices = @transform_3, window_bounds = array<i64: 384, 96>}, {pipeline_mode = #tpu.pipeline_mode<synchronous>, transform_indices = @transform_4, window_bounds = array<i64: 1, 96>}, {pipeline_mode = #tpu.pipeline_mode<synchronous>, transform_indices = @transform_5, window_bounds = array<i64: 384, 48>}, {pipeline_mode = #tpu.pipeline_mode<synchronous>, transform_indices = @transform_6, window_bounds = array<i64: 1, 48>}, {transform_indices = @transform_7, window_bounds = array<i64: 1, 1024, 384>}, {transform_indices = @transform_8, window_bounds = array<i64: 1, 1024, 192>}, {transform_indices = @transform_9, window_bounds = array<i64: 1, 1024, 192>}]} {
    %get3A = arith.constant 0 : index
    %get3A_0 = arith.constant 0 : index
    %get3A_1 = arith.constant 0 : index
    %get3A_2 = vector.load %arg1[%get3A, %get3A_0, %get3A_1] : memref<1x1024x384xf32, #tpu.memory_space<vmem>>, vector<1x1024x384xf32>
    %get3A_3 = vector.shape_cast %get3A_2 : vector<1x1024x384xf32> to vector<1024x384xf32>
    %get3A_4 = arith.constant 0 : index
    %get3A_5 = arith.constant 0 : index
    %get3A_6 = vector.load %arg2[%get3A_4, %get3A_5] : memref<384x384xf32, #tpu.memory_space<vmem>>, vector<384x384xf32>
    %dot_general3A = arith.constant dense<0.000000e+00> : vector<1024x384xf32>
    %dot_general3A_7 = tpu.matmul %get3A_3, %get3A_6, %dot_general3A {dimension_numbers = #tpu.dot_dimension_numbers<[1], [0], [0], [1], [0, 0, 1, 1], [], []>, transpose_lhs_hint = false} : vector<1024x384xf32>, vector<384x384xf32>, vector<1024x384xf32> -> vector<1024x384xf32>
    %get3A_8 = arith.constant 0 : index
    %get3A_9 = arith.constant 0 : index
    %get3A_10 = vector.load %arg3[%get3A_8, %get3A_9] : memref<1x384xf32, #tpu.memory_space<vmem>>, vector<1x384xf32>
    %add3A = vector.broadcast %get3A_10 : vector<1x384xf32> to vector<1024x384xf32>
    %add3A_11 = arith.addf %dot_general3A_7, %add3A : vector<1024x384xf32>
    %swap3A = arith.constant 0 : index
    %swap3A_12 = arith.constant 0 : index
    %swap3A_13 = arith.constant 0 : index
    %swap3A_14 = vector.load %arg8[%swap3A, %swap3A_12, %swap3A_13] : memref<1x1024x384xf32, #tpu.memory_space<vmem>>, vector<1x1024x384xf32>
    %swap3A_15 = vector.shape_cast %swap3A_14 : vector<1x1024x384xf32> to vector<1024x384xf32>
    %swap3A_16 = vector.shape_cast %add3A_11 : vector<1024x384xf32> to vector<1x1024x384xf32>
    tpu.vector_store %arg8[%swap3A, %swap3A_12, %swap3A_13], %swap3A_16 {strides = array<i32>} : memref<1x1024x384xf32, #tpu.memory_space<vmem>>, vector<1x1024x384xf32>,
    %get3A_17 = arith.constant 0 : index
    %get3A_18 = arith.constant 0 : index
    %get3A_19 = vector.load %arg4[%get3A_17, %get3A_18] : memref<384x96xf32, #tpu.memory_space<vmem>>, vector<384x96xf32>
    %dot_general3A_20 = arith.constant dense<0.000000e+00> : vector<1024x96xf32>
    %dot_general3A_21 = tpu.matmul %get3A_3, %get3A_19, %dot_general3A_20 {dimension_numbers = #tpu.dot_dimension_numbers<[1], [0], [0], [1], [0, 0, 1, 1], [], []>, transpose_lhs_hint = false} : vector<1024x384xf32>, vector<384x96xf32>, vector<1024x96xf32> -> vector<1024x96xf32>
    %get3A_22 = arith.constant 0 : index
    %get3A_23 = arith.constant 0 : index
    %get3A_24 = vector.load %arg5[%get3A_22, %get3A_23] : memref<1x96xf32, #tpu.memory_space<vmem>>, vector<1x96xf32>
    %add3A_25 = vector.broadcast %get3A_24 : vector<1x96xf32> to vector<1024x96xf32>
    %add3A_26 = arith.addf %dot_general3A_21, %add3A_25 : vector<1024x96xf32>
    %get3A_27 = arith.constant 0 : index
    %get3A_28 = arith.constant 0 : index
    %get3A_29 = vector.load %arg6[%get3A_27, %get3A_28] : memref<384x48xf32, #tpu.memory_space<vmem>>, vector<384x48xf32>
    %dot_general3A_30 = arith.constant dense<0.000000e+00> : vector<1024x48xf32>
    %dot_general3A_31 = tpu.matmul %get3A_3, %get3A_29, %dot_general3A_30 {dimension_numbers = #tpu.dot_dimension_numbers<[1], [0], [0], [1], [0, 0, 1, 1], [], []>, transpose_lhs_hint = false} : vector<1024x384xf32>, vector<384x48xf32>, vector<1024x48xf32> -> vector<1024x48xf32>
    %get3A_32 = arith.constant 0 : index
    %get3A_33 = arith.constant 0 : index
    %get3A_34 = vector.load %arg7[%get3A_32, %get3A_33] : memref<1x48xf32, #tpu.memory_space<vmem>>, vector<1x48xf32>
    %add3A_35 = vector.broadcast %get3A_34 : vector<1x48xf32> to vector<1024x48xf32>
    %add3A_36 = arith.addf %dot_general3A_31, %add3A_35 : vector<1024x48xf32>
    %reduce_max3A = arith.constant dense<0xFF800000> : vector<1024xf32>
    %reduce_max3A_37 = vector.multi_reduction <maximumf>, %add3A_36, %reduce_max3A [1] : vector<1024x48xf32> to vector<1024xf32>
    %broadcast_in_dim3A = vector.shape_cast %reduce_max3A_37 : vector<1024xf32> to vector<1024x1xf32>
    %sub3A = vector.broadcast %broadcast_in_dim3A : vector<1024x1xf32> to vector<1024x48xf32>
    %sub3A_38 = arith.subf %add3A_36, %sub3A : vector<1024x48xf32>
    %exp3A = math.exp %sub3A_38 : vector<1024x48xf32>
    %iota3A = tpu.iota {dimensions = array<i32: 0>} : vector<48x48xi32>
    %iota3A_39 = tpu.iota {dimensions = array<i32: 1>} : vector<48x48xi32>
    %jit3A = arith.constant 4 : i32
    %div3A = vector.broadcast %jit3A : i32 to vector<48x48xi32>
    %div3A_40 = arith.divsi %iota3A, %div3A : vector<48x48xi32>
    %sign3A = arith.constant 0 : i32
    %sign3A_41 = vector.broadcast %sign3A : i32 to vector<48x48xi32>
    %sign3A_42 = arith.cmpi sgt, %iota3A, %sign3A_41 : vector<48x48xi32>
    %sign3A_43 = arith.extui %sign3A_42 : vector<48x48xi1> to vector<48x48xi32>
    %sign3A_44 = arith.constant 0 : i32
    %sign3A_45 = vector.broadcast %sign3A_44 : i32 to vector<48x48xi32>
    %sign3A_46 = arith.cmpi slt, %iota3A, %sign3A_45 : vector<48x48xi32>
    %sign3A_47 = arith.extui %sign3A_46 : vector<48x48xi1> to vector<48x48xi32>
    %sign3A_48 = arith.subi %sign3A_43, %sign3A_47 : vector<48x48xi32>
    %sign3A_49 = arith.constant 0 : i32
    %sign3A_50 = arith.cmpi sgt, %jit3A, %sign3A_49 : i32
    %sign3A_51 = arith.extui %sign3A_50 : i1 to i32
    %sign3A_52 = arith.constant 0 : i32
    %sign3A_53 = arith.cmpi slt, %jit3A, %sign3A_52 : i32
    %sign3A_54 = arith.extui %sign3A_53 : i1 to i32
    %sign3A_55 = arith.subi %sign3A_51, %sign3A_54 : i32
    %ne3A = vector.broadcast %sign3A_55 : i32 to vector<48x48xi32>
    %ne3A_56 = arith.cmpi ne, %sign3A_48, %ne3A : vector<48x48xi32>
    %rem3A = vector.broadcast %jit3A : i32 to vector<48x48xi32>
    %rem3A_57 = arith.remsi %iota3A, %rem3A : vector<48x48xi32>
    %ne3A_58 = arith.constant 0 : i32
    %ne3A_59 = vector.broadcast %ne3A_58 : i32 to vector<48x48xi32>
    %ne3A_60 = arith.cmpi ne, %rem3A_57, %ne3A_59 : vector<48x48xi32>
    %and3A = arith.andi %ne3A_56, %ne3A_60 : vector<48x48xi1>
    %sub3A_61 = arith.constant 1 : i32
    %sub3A_62 = vector.broadcast %sub3A_61 : i32 to vector<48x48xi32>
    %sub3A_63 = arith.subi %div3A_40, %sub3A_62 : vector<48x48xi32>
    %select_n3A = arith.select %and3A, %sub3A_63, %div3A_40 : vector<48x48xi1>, vector<48x48xi32>
    %jit3A_64 = arith.constant 4 : i32
    %div3A_65 = vector.broadcast %jit3A_64 : i32 to vector<48x48xi32>
    %div3A_66 = arith.divsi %iota3A_39, %div3A_65 : vector<48x48xi32>
    %sign3A_67 = arith.constant 0 : i32
    %sign3A_68 = vector.broadcast %sign3A_67 : i32 to vector<48x48xi32>
    %sign3A_69 = arith.cmpi sgt, %iota3A_39, %sign3A_68 : vector<48x48xi32>
    %sign3A_70 = arith.extui %sign3A_69 : vector<48x48xi1> to vector<48x48xi32>
    %sign3A_71 = arith.constant 0 : i32
    %sign3A_72 = vector.broadcast %sign3A_71 : i32 to vector<48x48xi32>
    %sign3A_73 = arith.cmpi slt, %iota3A_39, %sign3A_72 : vector<48x48xi32>
    %sign3A_74 = arith.extui %sign3A_73 : vector<48x48xi1> to vector<48x48xi32>
    %sign3A_75 = arith.subi %sign3A_70, %sign3A_74 : vector<48x48xi32>
    %sign3A_76 = arith.constant 0 : i32
    %sign3A_77 = arith.cmpi sgt, %jit3A_64, %sign3A_76 : i32
    %sign3A_78 = arith.extui %sign3A_77 : i1 to i32
    %sign3A_79 = arith.constant 0 : i32
    %sign3A_80 = arith.cmpi slt, %jit3A_64, %sign3A_79 : i32
    %sign3A_81 = arith.extui %sign3A_80 : i1 to i32
    %sign3A_82 = arith.subi %sign3A_78, %sign3A_81 : i32
    %ne3A_83 = vector.broadcast %sign3A_82 : i32 to vector<48x48xi32>
    %ne3A_84 = arith.cmpi ne, %sign3A_75, %ne3A_83 : vector<48x48xi32>
    %rem3A_85 = vector.broadcast %jit3A_64 : i32 to vector<48x48xi32>
    %rem3A_86 = arith.remsi %iota3A_39, %rem3A_85 : vector<48x48xi32>
    %ne3A_87 = arith.constant 0 : i32
    %ne3A_88 = vector.broadcast %ne3A_87 : i32 to vector<48x48xi32>
    %ne3A_89 = arith.cmpi ne, %rem3A_86, %ne3A_88 : vector<48x48xi32>
    %and3A_90 = arith.andi %ne3A_84, %ne3A_89 : vector<48x48xi1>
    %sub3A_91 = arith.constant 1 : i32
    %sub3A_92 = vector.broadcast %sub3A_91 : i32 to vector<48x48xi32>
    %sub3A_93 = arith.subi %div3A_66, %sub3A_92 : vector<48x48xi32>
    %select_n3A_94 = arith.select %and3A_90, %sub3A_93, %div3A_66 : vector<48x48xi1>, vector<48x48xi32>
    %eq3A = arith.cmpi eq, %select_n3A, %select_n3A_94 : vector<48x48xi32>
    %convert_element_type3A = arith.extui %eq3A : vector<48x48xi1> to vector<48x48xi32>
    %convert_element_type3A_95 = arith.sitofp %convert_element_type3A : vector<48x48xi32> to vector<48x48xf32>
    %dot_general3A_96 = arith.constant dense<0.000000e+00> : vector<1024x48xf32>
    %dot_general3A_97 = tpu.matmul %exp3A, %convert_element_type3A_95, %dot_general3A_96 {dimension_numbers = #tpu.dot_dimension_numbers<[1], [0], [0], [1], [0, 0, 1, 1], [], []>, transpose_lhs_hint = false} : vector<1024x48xf32>, vector<48x48xf32>, vector<1024x48xf32> -> vector<1024x48xf32>
    %div3A_98 = arith.divf %exp3A, %dot_general3A_97 : vector<1024x48xf32>
    %iota3A_99 = tpu.iota {dimensions = array<i32: 0>} : vector<1024x1xi32>
    %jit3A_100 = arith.constant 32 : i32
    %eq3A_101 = arith.constant 0 : i32
    %eq3A_102 = arith.cmpi eq, %jit3A_100, %eq3A_101 : i32
    %jit3A_103 = arith.constant 1 : i32
    %select_n3A_104 = arith.select %eq3A_102, %jit3A_103, %jit3A_100 : i32
    %rem3A_105 = vector.broadcast %select_n3A_104 : i32 to vector<1024x1xi32>
    %rem3A_106 = arith.remsi %iota3A_99, %rem3A_105 : vector<1024x1xi32>
    %ne3A_107 = arith.constant 0 : i32
    %ne3A_108 = vector.broadcast %ne3A_107 : i32 to vector<1024x1xi32>
    %ne3A_109 = arith.cmpi ne, %rem3A_106, %ne3A_108 : vector<1024x1xi32>
    %lt3A = arith.constant 0 : i32
    %lt3A_110 = vector.broadcast %lt3A : i32 to vector<1024x1xi32>
    %lt3A_111 = arith.cmpi slt, %rem3A_106, %lt3A_110 : vector<1024x1xi32>
    %lt3A_112 = arith.constant 0 : i32
    %lt3A_113 = arith.cmpi slt, %select_n3A_104, %lt3A_112 : i32
    %ne3A_114 = vector.broadcast %lt3A_113 : i1 to vector<1024x1xi1>
    %ne3A_115 = vector.broadcast %ne3A_114 : vector<1024x1xi1> to vector<1024x1xi1>
    %ne3A_116 = arith.xori %lt3A_111, %ne3A_115 : vector<1024x1xi1>
    %and3A_117 = arith.andi %ne3A_116, %ne3A_109 : vector<1024x1xi1>
    %add3A_118 = vector.broadcast %select_n3A_104 : i32 to vector<1024x1xi32>
    %add3A_119 = arith.addi %rem3A_106, %add3A_118 : vector<1024x1xi32>
    %select_n3A_120 = arith.select %and3A_117, %add3A_119, %rem3A_106 : vector<1024x1xi1>, vector<1024x1xi32>
    %convert_element_type3A_121 = arith.sitofp %select_n3A_120 : vector<1024x1xi32> to vector<1024x1xf32>
    %jit3A_122 = arith.constant 32 : i32
    %div3A_123 = vector.broadcast %jit3A_122 : i32 to vector<1024x1xi32>
    %div3A_124 = arith.divsi %iota3A_99, %div3A_123 : vector<1024x1xi32>
    %sign3A_125 = arith.constant 0 : i32
    %sign3A_126 = vector.broadcast %sign3A_125 : i32 to vector<1024x1xi32>
    %sign3A_127 = arith.cmpi sgt, %iota3A_99, %sign3A_126 : vector<1024x1xi32>
    %sign3A_128 = arith.extui %sign3A_127 : vector<1024x1xi1> to vector<1024x1xi32>
    %sign3A_129 = arith.constant 0 : i32
    %sign3A_130 = vector.broadcast %sign3A_129 : i32 to vector<1024x1xi32>
    %sign3A_131 = arith.cmpi slt, %iota3A_99, %sign3A_130 : vector<1024x1xi32>
    %sign3A_132 = arith.extui %sign3A_131 : vector<1024x1xi1> to vector<1024x1xi32>
    %sign3A_133 = arith.subi %sign3A_128, %sign3A_132 : vector<1024x1xi32>
    %sign3A_134 = arith.constant 0 : i32
    %sign3A_135 = arith.cmpi sgt, %jit3A_122, %sign3A_134 : i32
    %sign3A_136 = arith.extui %sign3A_135 : i1 to i32
    %sign3A_137 = arith.constant 0 : i32
    %sign3A_138 = arith.cmpi slt, %jit3A_122, %sign3A_137 : i32
    %sign3A_139 = arith.extui %sign3A_138 : i1 to i32
    %sign3A_140 = arith.subi %sign3A_136, %sign3A_139 : i32
    %ne3A_141 = vector.broadcast %sign3A_140 : i32 to vector<1024x1xi32>
    %ne3A_142 = arith.cmpi ne, %sign3A_133, %ne3A_141 : vector<1024x1xi32>
    %rem3A_143 = vector.broadcast %jit3A_122 : i32 to vector<1024x1xi32>
    %rem3A_144 = arith.remsi %iota3A_99, %rem3A_143 : vector<1024x1xi32>
    %ne3A_145 = arith.constant 0 : i32
    %ne3A_146 = vector.broadcast %ne3A_145 : i32 to vector<1024x1xi32>
    %ne3A_147 = arith.cmpi ne, %rem3A_144, %ne3A_146 : vector<1024x1xi32>
    %and3A_148 = arith.andi %ne3A_142, %ne3A_147 : vector<1024x1xi1>
    %sub3A_149 = arith.constant 1 : i32
    %sub3A_150 = vector.broadcast %sub3A_149 : i32 to vector<1024x1xi32>
    %sub3A_151 = arith.subi %div3A_124, %sub3A_150 : vector<1024x1xi32>
    %select_n3A_152 = arith.select %and3A_148, %sub3A_151, %div3A_124 : vector<1024x1xi1>, vector<1024x1xi32>
    %convert_element_type3A_153 = arith.sitofp %select_n3A_152 : vector<1024x1xi32> to vector<1024x1xf32>
    %iota3A_154 = tpu.iota {dimensions = array<i32: 1>} : vector<1x96xi32>
    %jit3A_155 = arith.constant 2 : i32
    %eq3A_156 = arith.constant 0 : i32
    %eq3A_157 = arith.cmpi eq, %jit3A_155, %eq3A_156 : i32
    %jit3A_158 = arith.constant 1 : i32
    %select_n3A_159 = arith.select %eq3A_157, %jit3A_158, %jit3A_155 : i32
    %rem3A_160 = vector.broadcast %select_n3A_159 : i32 to vector<1x96xi32>
    %rem3A_161 = arith.remsi %iota3A_154, %rem3A_160 : vector<1x96xi32>
    %ne3A_162 = arith.constant 0 : i32
    %ne3A_163 = vector.broadcast %ne3A_162 : i32 to vector<1x96xi32>
    %ne3A_164 = arith.cmpi ne, %rem3A_161, %ne3A_163 : vector<1x96xi32>
    %lt3A_165 = arith.constant 0 : i32
    %lt3A_166 = vector.broadcast %lt3A_165 : i32 to vector<1x96xi32>
    %lt3A_167 = arith.cmpi slt, %rem3A_161, %lt3A_166 : vector<1x96xi32>
    %lt3A_168 = arith.constant 0 : i32
    %lt3A_169 = arith.cmpi slt, %select_n3A_159, %lt3A_168 : i32
    %ne3A_170 = vector.broadcast %lt3A_169 : i1 to vector<1x96xi1>
    %ne3A_171 = vector.broadcast %ne3A_170 : vector<1x96xi1> to vector<1x96xi1>
    %ne3A_172 = arith.xori %lt3A_167, %ne3A_171 : vector<1x96xi1>
    %and3A_173 = arith.andi %ne3A_172, %ne3A_164 : vector<1x96xi1>
    %add3A_174 = vector.broadcast %select_n3A_159 : i32 to vector<1x96xi32>
    %add3A_175 = arith.addi %rem3A_161, %add3A_174 : vector<1x96xi32>
    %select_n3A_176 = arith.select %and3A_173, %add3A_175, %rem3A_161 : vector<1x96xi1>, vector<1x96xi32>
    %eq3A_177 = arith.constant 0 : i32
    %eq3A_178 = vector.broadcast %eq3A_177 : i32 to vector<1x96xi32>
    %eq3A_179 = arith.cmpi eq, %select_n3A_176, %eq3A_178 : vector<1x96xi32>
    %broadcast_in_dim3A_180 = vector.shape_cast %eq3A_179 : vector<1x96xi1> to vector<1x96xi1>
    %broadcast_in_dim3A_181 = vector.broadcast %broadcast_in_dim3A_180 : vector<1x96xi1> to vector<1024x96xi1>
    %broadcast_in_dim3A_182 = vector.shape_cast %convert_element_type3A_121 : vector<1024x1xf32> to vector<1024x1xf32>
    %broadcast_in_dim3A_183 = vector.broadcast %broadcast_in_dim3A_182 : vector<1024x1xf32> to vector<1024x96xf32>
    %broadcast_in_dim3A_184 = vector.shape_cast %convert_element_type3A_153 : vector<1024x1xf32> to vector<1024x1xf32>
    %broadcast_in_dim3A_185 = vector.broadcast %broadcast_in_dim3A_184 : vector<1024x1xf32> to vector<1024x96xf32>
    %select_n3A_186 = arith.select %broadcast_in_dim3A_181, %broadcast_in_dim3A_183, %broadcast_in_dim3A_185 : vector<1024x96xi1>, vector<1024x96xf32>
    %add3A_187 = arith.addf %add3A_26, %select_n3A_186 : vector<1024x96xf32>
    %floor3A = math.floor %add3A_187 : vector<1024x96xf32>
    %sub3A_188 = arith.subf %add3A_187, %floor3A : vector<1024x96xf32>
    %iota3A_189 = tpu.iota {dimensions = array<i32: 0>} : vector<96x192xi32>
    %iota3A_190 = tpu.iota {dimensions = array<i32: 1>} : vector<96x192xi32>
    %jit3A_191 = arith.constant 16 : i32
    %div3A_192 = vector.broadcast %jit3A_191 : i32 to vector<96x192xi32>
    %div3A_193 = arith.divsi %iota3A_190, %div3A_192 : vector<96x192xi32>
    %sign3A_194 = arith.constant 0 : i32
    %sign3A_195 = vector.broadcast %sign3A_194 : i32 to vector<96x192xi32>
    %sign3A_196 = arith.cmpi sgt, %iota3A_190, %sign3A_195 : vector<96x192xi32>
    %sign3A_197 = arith.extui %sign3A_196 : vector<96x192xi1> to vector<96x192xi32>
    %sign3A_198 = arith.constant 0 : i32
    %sign3A_199 = vector.broadcast %sign3A_198 : i32 to vector<96x192xi32>
    %sign3A_200 = arith.cmpi slt, %iota3A_190, %sign3A_199 : vector<96x192xi32>
    %sign3A_201 = arith.extui %sign3A_200 : vector<96x192xi1> to vector<96x192xi32>
    %sign3A_202 = arith.subi %sign3A_197, %sign3A_201 : vector<96x192xi32>
    %sign3A_203 = arith.constant 0 : i32
    %sign3A_204 = arith.cmpi sgt, %jit3A_191, %sign3A_203 : i32
    %sign3A_205 = arith.extui %sign3A_204 : i1 to i32
    %sign3A_206 = arith.constant 0 : i32
    %sign3A_207 = arith.cmpi slt, %jit3A_191, %sign3A_206 : i32
    %sign3A_208 = arith.extui %sign3A_207 : i1 to i32
    %sign3A_209 = arith.subi %sign3A_205, %sign3A_208 : i32
    %ne3A_210 = vector.broadcast %sign3A_209 : i32 to vector<96x192xi32>
    %ne3A_211 = arith.cmpi ne, %sign3A_202, %ne3A_210 : vector<96x192xi32>
    %rem3A_212 = vector.broadcast %jit3A_191 : i32 to vector<96x192xi32>
    %rem3A_213 = arith.remsi %iota3A_190, %rem3A_212 : vector<96x192xi32>
    %ne3A_214 = arith.constant 0 : i32
    %ne3A_215 = vector.broadcast %ne3A_214 : i32 to vector<96x192xi32>
    %ne3A_216 = arith.cmpi ne, %rem3A_213, %ne3A_215 : vector<96x192xi32>
    %and3A_217 = arith.andi %ne3A_211, %ne3A_216 : vector<96x192xi1>
    %sub3A_218 = arith.constant 1 : i32
    %sub3A_219 = vector.broadcast %sub3A_218 : i32 to vector<96x192xi32>
    %sub3A_220 = arith.subi %div3A_193, %sub3A_219 : vector<96x192xi32>
    %select_n3A_221 = arith.select %and3A_217, %sub3A_220, %div3A_193 : vector<96x192xi1>, vector<96x192xi32>
    %mul3A = arith.constant 8 : i32
    %mul3A_222 = vector.broadcast %mul3A : i32 to vector<96x192xi32>
    %mul3A_223 = arith.muli %select_n3A_221, %mul3A_222 : vector<96x192xi32>
    %jit3A_224 = arith.constant 16 : i32
    %eq3A_225 = arith.constant 0 : i32
    %eq3A_226 = arith.cmpi eq, %jit3A_224, %eq3A_225 : i32
    %jit3A_227 = arith.constant 1 : i32
    %select_n3A_228 = arith.select %eq3A_226, %jit3A_227, %jit3A_224 : i32
    %rem3A_229 = vector.broadcast %select_n3A_228 : i32 to vector<96x192xi32>
    %rem3A_230 = arith.remsi %iota3A_190, %rem3A_229 : vector<96x192xi32>
    %ne3A_231 = arith.constant 0 : i32
    %ne3A_232 = vector.broadcast %ne3A_231 : i32 to vector<96x192xi32>
    %ne3A_233 = arith.cmpi ne, %rem3A_230, %ne3A_232 : vector<96x192xi32>
    %lt3A_234 = arith.constant 0 : i32
    %lt3A_235 = vector.broadcast %lt3A_234 : i32 to vector<96x192xi32>
    %lt3A_236 = arith.cmpi slt, %rem3A_230, %lt3A_235 : vector<96x192xi32>
    %lt3A_237 = arith.constant 0 : i32
    %lt3A_238 = arith.cmpi slt, %select_n3A_228, %lt3A_237 : i32
    %ne3A_239 = vector.broadcast %lt3A_238 : i1 to vector<96x192xi1>
    %ne3A_240 = vector.broadcast %ne3A_239 : vector<96x192xi1> to vector<96x192xi1>
    %ne3A_241 = arith.xori %lt3A_236, %ne3A_240 : vector<96x192xi1>
    %and3A_242 = arith.andi %ne3A_241, %ne3A_233 : vector<96x192xi1>
    %add3A_243 = vector.broadcast %select_n3A_228 : i32 to vector<96x192xi32>
    %add3A_244 = arith.addi %rem3A_230, %add3A_243 : vector<96x192xi32>
    %select_n3A_245 = arith.select %and3A_242, %add3A_244, %rem3A_230 : vector<96x192xi1>, vector<96x192xi32>
    %jit3A_246 = arith.constant 4 : i32
    %div3A_247 = vector.broadcast %jit3A_246 : i32 to vector<96x192xi32>
    %div3A_248 = arith.divsi %select_n3A_245, %div3A_247 : vector<96x192xi32>
    %sign3A_249 = arith.constant 0 : i32
    %sign3A_250 = vector.broadcast %sign3A_249 : i32 to vector<96x192xi32>
    %sign3A_251 = arith.cmpi sgt, %select_n3A_245, %sign3A_250 : vector<96x192xi32>
    %sign3A_252 = arith.extui %sign3A_251 : vector<96x192xi1> to vector<96x192xi32>
    %sign3A_253 = arith.constant 0 : i32
    %sign3A_254 = vector.broadcast %sign3A_253 : i32 to vector<96x192xi32>
    %sign3A_255 = arith.cmpi slt, %select_n3A_245, %sign3A_254 : vector<96x192xi32>
    %sign3A_256 = arith.extui %sign3A_255 : vector<96x192xi1> to vector<96x192xi32>
    %sign3A_257 = arith.subi %sign3A_252, %sign3A_256 : vector<96x192xi32>
    %sign3A_258 = arith.constant 0 : i32
    %sign3A_259 = arith.cmpi sgt, %jit3A_246, %sign3A_258 : i32
    %sign3A_260 = arith.extui %sign3A_259 : i1 to i32
    %sign3A_261 = arith.constant 0 : i32
    %sign3A_262 = arith.cmpi slt, %jit3A_246, %sign3A_261 : i32
    %sign3A_263 = arith.extui %sign3A_262 : i1 to i32
    %sign3A_264 = arith.subi %sign3A_260, %sign3A_263 : i32
    %ne3A_265 = vector.broadcast %sign3A_264 : i32 to vector<96x192xi32>
    %ne3A_266 = arith.cmpi ne, %sign3A_257, %ne3A_265 : vector<96x192xi32>
    %rem3A_267 = vector.broadcast %jit3A_246 : i32 to vector<96x192xi32>
    %rem3A_268 = arith.remsi %select_n3A_245, %rem3A_267 : vector<96x192xi32>
    %ne3A_269 = arith.constant 0 : i32
    %ne3A_270 = vector.broadcast %ne3A_269 : i32 to vector<96x192xi32>
    %ne3A_271 = arith.cmpi ne, %rem3A_268, %ne3A_270 : vector<96x192xi32>
    %and3A_272 = arith.andi %ne3A_266, %ne3A_271 : vector<96x192xi1>
    %sub3A_273 = arith.constant 1 : i32
    %sub3A_274 = vector.broadcast %sub3A_273 : i32 to vector<96x192xi32>
    %sub3A_275 = arith.subi %div3A_248, %sub3A_274 : vector<96x192xi32>
    %select_n3A_276 = arith.select %and3A_272, %sub3A_275, %div3A_248 : vector<96x192xi1>, vector<96x192xi32>
    %mul3A_277 = arith.constant 2 : i32
    %mul3A_278 = vector.broadcast %mul3A_277 : i32 to vector<96x192xi32>
    %mul3A_279 = arith.muli %select_n3A_276, %mul3A_278 : vector<96x192xi32>
    %add3A_280 = arith.addi %mul3A_223, %mul3A_279 : vector<96x192xi32>
    %eq3A_281 = arith.cmpi eq, %iota3A_189, %add3A_280 : vector<96x192xi32>
    %convert_element_type3A_282 = arith.extui %eq3A_281 : vector<96x192xi1> to vector<96x192xi32>
    %convert_element_type3A_283 = arith.sitofp %convert_element_type3A_282 : vector<96x192xi32> to vector<96x192xf32>
    %add3A_284 = arith.constant 1 : i32
    %add3A_285 = vector.broadcast %add3A_284 : i32 to vector<96x192xi32>
    %add3A_286 = arith.addi %add3A_280, %add3A_285 : vector<96x192xi32>
    %eq3A_287 = arith.cmpi eq, %iota3A_189, %add3A_286 : vector<96x192xi32>
    %convert_element_type3A_288 = arith.extui %eq3A_287 : vector<96x192xi1> to vector<96x192xi32>
    %convert_element_type3A_289 = arith.sitofp %convert_element_type3A_288 : vector<96x192xi32> to vector<96x192xf32>
    %dot_general3A_290 = arith.constant dense<0.000000e+00> : vector<1024x192xf32>
    %dot_general3A_291 = tpu.matmul %floor3A, %convert_element_type3A_283, %dot_general3A_290 {dimension_numbers = #tpu.dot_dimension_numbers<[1], [0], [0], [1], [0, 0, 1, 1], [], []>, transpose_lhs_hint = false} : vector<1024x96xf32>, vector<96x192xf32>, vector<1024x192xf32> -> vector<1024x192xf32>
    %dot_general3A_292 = arith.constant dense<0.000000e+00> : vector<1024x192xf32>
    %dot_general3A_293 = tpu.matmul %floor3A, %convert_element_type3A_289, %dot_general3A_292 {dimension_numbers = #tpu.dot_dimension_numbers<[1], [0], [0], [1], [0, 0, 1, 1], [], []>, transpose_lhs_hint = false} : vector<1024x96xf32>, vector<96x192xf32>, vector<1024x192xf32> -> vector<1024x192xf32>
    %dot_general3A_294 = arith.constant dense<0.000000e+00> : vector<1024x192xf32>
    %dot_general3A_295 = tpu.matmul %sub3A_188, %convert_element_type3A_283, %dot_general3A_294 {dimension_numbers = #tpu.dot_dimension_numbers<[1], [0], [0], [1], [0, 0, 1, 1], [], []>, transpose_lhs_hint = false} : vector<1024x96xf32>, vector<96x192xf32>, vector<1024x192xf32> -> vector<1024x192xf32>
    %dot_general3A_296 = arith.constant dense<0.000000e+00> : vector<1024x192xf32>
    %dot_general3A_297 = tpu.matmul %sub3A_188, %convert_element_type3A_289, %dot_general3A_296 {dimension_numbers = #tpu.dot_dimension_numbers<[1], [0], [0], [1], [0, 0, 1, 1], [], []>, transpose_lhs_hint = false} : vector<1024x96xf32>, vector<96x192xf32>, vector<1024x192xf32> -> vector<1024x192xf32>
    %iota3A_298 = tpu.iota {dimensions = array<i32: 0>} : vector<48x192xi32>
    %iota3A_299 = tpu.iota {dimensions = array<i32: 1>} : vector<48x192xi32>
    %jit3A_300 = arith.constant 4 : i32
    %div3A_301 = vector.broadcast %jit3A_300 : i32 to vector<48x192xi32>
    %div3A_302 = arith.divsi %iota3A_299, %div3A_301 : vector<48x192xi32>
    %sign3A_303 = arith.constant 0 : i32
    %sign3A_304 = vector.broadcast %sign3A_303 : i32 to vector<48x192xi32>
    %sign3A_305 = arith.cmpi sgt, %iota3A_299, %sign3A_304 : vector<48x192xi32>
    %sign3A_306 = arith.extui %sign3A_305 : vector<48x192xi1> to vector<48x192xi32>
    %sign3A_307 = arith.constant 0 : i32
    %sign3A_308 = vector.broadcast %sign3A_307 : i32 to vector<48x192xi32>
    %sign3A_309 = arith.cmpi slt, %iota3A_299, %sign3A_308 : vector<48x192xi32>
    %sign3A_310 = arith.extui %sign3A_309 : vector<48x192xi1> to vector<48x192xi32>
    %sign3A_311 = arith.subi %sign3A_306, %sign3A_310 : vector<48x192xi32>
    %sign3A_312 = arith.constant 0 : i32
    %sign3A_313 = arith.cmpi sgt, %jit3A_300, %sign3A_312 : i32
    %sign3A_314 = arith.extui %sign3A_313 : i1 to i32
    %sign3A_315 = arith.constant 0 : i32
    %sign3A_316 = arith.cmpi slt, %jit3A_300, %sign3A_315 : i32
    %sign3A_317 = arith.extui %sign3A_316 : i1 to i32
    %sign3A_318 = arith.subi %sign3A_314, %sign3A_317 : i32
    %ne3A_319 = vector.broadcast %sign3A_318 : i32 to vector<48x192xi32>
    %ne3A_320 = arith.cmpi ne, %sign3A_311, %ne3A_319 : vector<48x192xi32>
    %rem3A_321 = vector.broadcast %jit3A_300 : i32 to vector<48x192xi32>
    %rem3A_322 = arith.remsi %iota3A_299, %rem3A_321 : vector<48x192xi32>
    %ne3A_323 = arith.constant 0 : i32
    %ne3A_324 = vector.broadcast %ne3A_323 : i32 to vector<48x192xi32>
    %ne3A_325 = arith.cmpi ne, %rem3A_322, %ne3A_324 : vector<48x192xi32>
    %and3A_326 = arith.andi %ne3A_320, %ne3A_325 : vector<48x192xi1>
    %sub3A_327 = arith.constant 1 : i32
    %sub3A_328 = vector.broadcast %sub3A_327 : i32 to vector<48x192xi32>
    %sub3A_329 = arith.subi %div3A_302, %sub3A_328 : vector<48x192xi32>
    %select_n3A_330 = arith.select %and3A_326, %sub3A_329, %div3A_302 : vector<48x192xi1>, vector<48x192xi32>
    %eq3A_331 = arith.cmpi eq, %iota3A_298, %select_n3A_330 : vector<48x192xi32>
    %convert_element_type3A_332 = arith.extui %eq3A_331 : vector<48x192xi1> to vector<48x192xi32>
    %convert_element_type3A_333 = arith.sitofp %convert_element_type3A_332 : vector<48x192xi32> to vector<48x192xf32>
    %dot_general3A_334 = arith.constant dense<0.000000e+00> : vector<1024x192xf32>
    %dot_general3A_335 = tpu.matmul %div3A_98, %convert_element_type3A_333, %dot_general3A_334 {dimension_numbers = #tpu.dot_dimension_numbers<[1], [0], [0], [1], [0, 0, 1, 1], [], []>, transpose_lhs_hint = false} : vector<1024x48xf32>, vector<48x192xf32>, vector<1024x192xf32> -> vector<1024x192xf32>
    %iota3A_336 = tpu.iota {dimensions = array<i32: 1>} : vector<1x192xi32>
    %jit3A_337 = arith.constant 4 : i32
    %eq3A_338 = arith.constant 0 : i32
    %eq3A_339 = arith.cmpi eq, %jit3A_337, %eq3A_338 : i32
    %jit3A_340 = arith.constant 1 : i32
    %select_n3A_341 = arith.select %eq3A_339, %jit3A_340, %jit3A_337 : i32
    %rem3A_342 = vector.broadcast %select_n3A_341 : i32 to vector<1x192xi32>
    %rem3A_343 = arith.remsi %iota3A_336, %rem3A_342 : vector<1x192xi32>
    %ne3A_344 = arith.constant 0 : i32
    %ne3A_345 = vector.broadcast %ne3A_344 : i32 to vector<1x192xi32>
    %ne3A_346 = arith.cmpi ne, %rem3A_343, %ne3A_345 : vector<1x192xi32>
    %lt3A_347 = arith.constant 0 : i32
    %lt3A_348 = vector.broadcast %lt3A_347 : i32 to vector<1x192xi32>
    %lt3A_349 = arith.cmpi slt, %rem3A_343, %lt3A_348 : vector<1x192xi32>
    %lt3A_350 = arith.constant 0 : i32
    %lt3A_351 = arith.cmpi slt, %select_n3A_341, %lt3A_350 : i32
    %ne3A_352 = vector.broadcast %lt3A_351 : i1 to vector<1x192xi1>
    %ne3A_353 = vector.broadcast %ne3A_352 : vector<1x192xi1> to vector<1x192xi1>
    %ne3A_354 = arith.xori %lt3A_349, %ne3A_353 : vector<1x192xi1>
    %and3A_355 = arith.andi %ne3A_354, %ne3A_346 : vector<1x192xi1>
    %add3A_356 = vector.broadcast %select_n3A_341 : i32 to vector<1x192xi32>
    %add3A_357 = arith.addi %rem3A_343, %add3A_356 : vector<1x192xi32>
    %select_n3A_358 = arith.select %and3A_355, %add3A_357, %rem3A_343 : vector<1x192xi1>, vector<1x192xi32>
    %jit3A_359 = arith.constant 2 : i32
    %eq3A_360 = arith.constant 0 : i32
    %eq3A_361 = arith.cmpi eq, %jit3A_359, %eq3A_360 : i32
    %jit3A_362 = arith.constant 1 : i32
    %select_n3A_363 = arith.select %eq3A_361, %jit3A_362, %jit3A_359 : i32
    %rem3A_364 = vector.broadcast %select_n3A_363 : i32 to vector<1x192xi32>
    %rem3A_365 = arith.remsi %select_n3A_358, %rem3A_364 : vector<1x192xi32>
    %ne3A_366 = arith.constant 0 : i32
    %ne3A_367 = vector.broadcast %ne3A_366 : i32 to vector<1x192xi32>
    %ne3A_368 = arith.cmpi ne, %rem3A_365, %ne3A_367 : vector<1x192xi32>
    %lt3A_369 = arith.constant 0 : i32
    %lt3A_370 = vector.broadcast %lt3A_369 : i32 to vector<1x192xi32>
    %lt3A_371 = arith.cmpi slt, %rem3A_365, %lt3A_370 : vector<1x192xi32>
    %lt3A_372 = arith.constant 0 : i32
    %lt3A_373 = arith.cmpi slt, %select_n3A_363, %lt3A_372 : i32
    %ne3A_374 = vector.broadcast %lt3A_373 : i1 to vector<1x192xi1>
    %ne3A_375 = vector.broadcast %ne3A_374 : vector<1x192xi1> to vector<1x192xi1>
    %ne3A_376 = arith.xori %lt3A_371, %ne3A_375 : vector<1x192xi1>
    %and3A_377 = arith.andi %ne3A_376, %ne3A_368 : vector<1x192xi1>
    %add3A_378 = vector.broadcast %select_n3A_363 : i32 to vector<1x192xi32>
    %add3A_379 = arith.addi %rem3A_365, %add3A_378 : vector<1x192xi32>
    %select_n3A_380 = arith.select %and3A_377, %add3A_379, %rem3A_365 : vector<1x192xi1>, vector<1x192xi32>
    %convert_element_type3A_381 = arith.sitofp %select_n3A_380 : vector<1x192xi32> to vector<1x192xf32>
    %jit3A_382 = arith.constant 4 : i32
    %eq3A_383 = arith.constant 0 : i32
    %eq3A_384 = arith.cmpi eq, %jit3A_382, %eq3A_383 : i32
    %jit3A_385 = arith.constant 1 : i32
    %select_n3A_386 = arith.select %eq3A_384, %jit3A_385, %jit3A_382 : i32
    %rem3A_387 = vector.broadcast %select_n3A_386 : i32 to vector<1x192xi32>
    %rem3A_388 = arith.remsi %iota3A_336, %rem3A_387 : vector<1x192xi32>
    %ne3A_389 = arith.constant 0 : i32
    %ne3A_390 = vector.broadcast %ne3A_389 : i32 to vector<1x192xi32>
    %ne3A_391 = arith.cmpi ne, %rem3A_388, %ne3A_390 : vector<1x192xi32>
    %lt3A_392 = arith.constant 0 : i32
    %lt3A_393 = vector.broadcast %lt3A_392 : i32 to vector<1x192xi32>
    %lt3A_394 = arith.cmpi slt, %rem3A_388, %lt3A_393 : vector<1x192xi32>
    %lt3A_395 = arith.constant 0 : i32
    %lt3A_396 = arith.cmpi slt, %select_n3A_386, %lt3A_395 : i32
    %ne3A_397 = vector.broadcast %lt3A_396 : i1 to vector<1x192xi1>
    %ne3A_398 = vector.broadcast %ne3A_397 : vector<1x192xi1> to vector<1x192xi1>
    %ne3A_399 = arith.xori %lt3A_394, %ne3A_398 : vector<1x192xi1>
    %and3A_400 = arith.andi %ne3A_399, %ne3A_391 : vector<1x192xi1>
    %add3A_401 = vector.broadcast %select_n3A_386 : i32 to vector<1x192xi32>
    %add3A_402 = arith.addi %rem3A_388, %add3A_401 : vector<1x192xi32>
    %select_n3A_403 = arith.select %and3A_400, %add3A_402, %rem3A_388 : vector<1x192xi1>, vector<1x192xi32>
    %jit3A_404 = arith.constant 2 : i32
    %div3A_405 = vector.broadcast %jit3A_404 : i32 to vector<1x192xi32>
    %div3A_406 = arith.divsi %select_n3A_403, %div3A_405 : vector<1x192xi32>
    %sign3A_407 = arith.constant 0 : i32
    %sign3A_408 = vector.broadcast %sign3A_407 : i32 to vector<1x192xi32>
    %sign3A_409 = arith.cmpi sgt, %select_n3A_403, %sign3A_408 : vector<1x192xi32>
    %sign3A_410 = arith.extui %sign3A_409 : vector<1x192xi1> to vector<1x192xi32>
    %sign3A_411 = arith.constant 0 : i32
    %sign3A_412 = vector.broadcast %sign3A_411 : i32 to vector<1x192xi32>
    %sign3A_413 = arith.cmpi slt, %select_n3A_403, %sign3A_412 : vector<1x192xi32>
    %sign3A_414 = arith.extui %sign3A_413 : vector<1x192xi1> to vector<1x192xi32>
    %sign3A_415 = arith.subi %sign3A_410, %sign3A_414 : vector<1x192xi32>
    %sign3A_416 = arith.constant 0 : i32
    %sign3A_417 = arith.cmpi sgt, %jit3A_404, %sign3A_416 : i32
    %sign3A_418 = arith.extui %sign3A_417 : i1 to i32
    %sign3A_419 = arith.constant 0 : i32
    %sign3A_420 = arith.cmpi slt, %jit3A_404, %sign3A_419 : i32
    %sign3A_421 = arith.extui %sign3A_420 : i1 to i32
    %sign3A_422 = arith.subi %sign3A_418, %sign3A_421 : i32
    %ne3A_423 = vector.broadcast %sign3A_422 : i32 to vector<1x192xi32>
    %ne3A_424 = arith.cmpi ne, %sign3A_415, %ne3A_423 : vector<1x192xi32>
    %rem3A_425 = vector.broadcast %jit3A_404 : i32 to vector<1x192xi32>
    %rem3A_426 = arith.remsi %select_n3A_403, %rem3A_425 : vector<1x192xi32>
    %ne3A_427 = arith.constant 0 : i32
    %ne3A_428 = vector.broadcast %ne3A_427 : i32 to vector<1x192xi32>
    %ne3A_429 = arith.cmpi ne, %rem3A_426, %ne3A_428 : vector<1x192xi32>
    %and3A_430 = arith.andi %ne3A_424, %ne3A_429 : vector<1x192xi1>
    %sub3A_431 = arith.constant 1 : i32
    %sub3A_432 = vector.broadcast %sub3A_431 : i32 to vector<1x192xi32>
    %sub3A_433 = arith.subi %div3A_406, %sub3A_432 : vector<1x192xi32>
    %select_n3A_434 = arith.select %and3A_430, %sub3A_433, %div3A_406 : vector<1x192xi1>, vector<1x192xi32>
    %convert_element_type3A_435 = arith.sitofp %select_n3A_434 : vector<1x192xi32> to vector<1x192xf32>
    %jit3A_436 = arith.constant 16 : i32
    %div3A_437 = vector.broadcast %jit3A_436 : i32 to vector<1x192xi32>
    %div3A_438 = arith.divsi %iota3A_336, %div3A_437 : vector<1x192xi32>
    %sign3A_439 = arith.constant 0 : i32
    %sign3A_440 = vector.broadcast %sign3A_439 : i32 to vector<1x192xi32>
    %sign3A_441 = arith.cmpi sgt, %iota3A_336, %sign3A_440 : vector<1x192xi32>
    %sign3A_442 = arith.extui %sign3A_441 : vector<1x192xi1> to vector<1x192xi32>
    %sign3A_443 = arith.constant 0 : i32
    %sign3A_444 = vector.broadcast %sign3A_443 : i32 to vector<1x192xi32>
    %sign3A_445 = arith.cmpi slt, %iota3A_336, %sign3A_444 : vector<1x192xi32>
    %sign3A_446 = arith.extui %sign3A_445 : vector<1x192xi1> to vector<1x192xi32>
    %sign3A_447 = arith.subi %sign3A_442, %sign3A_446 : vector<1x192xi32>
    %sign3A_448 = arith.constant 0 : i32
    %sign3A_449 = arith.cmpi sgt, %jit3A_436, %sign3A_448 : i32
    %sign3A_450 = arith.extui %sign3A_449 : i1 to i32
    %sign3A_451 = arith.constant 0 : i32
    %sign3A_452 = arith.cmpi slt, %jit3A_436, %sign3A_451 : i32
    %sign3A_453 = arith.extui %sign3A_452 : i1 to i32
    %sign3A_454 = arith.subi %sign3A_450, %sign3A_453 : i32
    %ne3A_455 = vector.broadcast %sign3A_454 : i32 to vector<1x192xi32>
    %ne3A_456 = arith.cmpi ne, %sign3A_447, %ne3A_455 : vector<1x192xi32>
    %rem3A_457 = vector.broadcast %jit3A_436 : i32 to vector<1x192xi32>
    %rem3A_458 = arith.remsi %iota3A_336, %rem3A_457 : vector<1x192xi32>
    %ne3A_459 = arith.constant 0 : i32
    %ne3A_460 = vector.broadcast %ne3A_459 : i32 to vector<1x192xi32>
    %ne3A_461 = arith.cmpi ne, %rem3A_458, %ne3A_460 : vector<1x192xi32>
    %and3A_462 = arith.andi %ne3A_456, %ne3A_461 : vector<1x192xi1>
    %sub3A_463 = arith.constant 1 : i32
    %sub3A_464 = vector.broadcast %sub3A_463 : i32 to vector<1x192xi32>
    %sub3A_465 = arith.subi %div3A_438, %sub3A_464 : vector<1x192xi32>
    %select_n3A_466 = arith.select %and3A_462, %sub3A_465, %div3A_438 : vector<1x192xi1>, vector<1x192xi32>
    %add3A_467 = vector.broadcast %convert_element_type3A_381 : vector<1x192xf32> to vector<1024x192xf32>
    %add3A_468 = arith.addf %dot_general3A_291, %add3A_467 : vector<1024x192xf32>
    %add3A_469 = vector.broadcast %convert_element_type3A_435 : vector<1x192xf32> to vector<1024x192xf32>
    %add3A_470 = arith.addf %dot_general3A_293, %add3A_469 : vector<1024x192xf32>
    %ge3A = arith.constant 0.000000e+00 : f32
    %ge3A_471 = vector.broadcast %ge3A : f32 to vector<1024x192xf32>
    %ge3A_472 = arith.cmpf oge, %add3A_468, %ge3A_471 : vector<1024x192xf32>
    %lt3A_473 = arith.constant 3.200000e+01 : f32
    %lt3A_474 = vector.broadcast %lt3A_473 : f32 to vector<1024x192xf32>
    %lt3A_475 = arith.cmpf olt, %add3A_468, %lt3A_474 : vector<1024x192xf32>
    %and3A_476 = arith.andi %ge3A_472, %lt3A_475 : vector<1024x192xi1>
    %ge3A_477 = arith.constant 0.000000e+00 : f32
    %ge3A_478 = vector.broadcast %ge3A_477 : f32 to vector<1024x192xf32>
    %ge3A_479 = arith.cmpf oge, %add3A_470, %ge3A_478 : vector<1024x192xf32>
    %and3A_480 = arith.andi %and3A_476, %ge3A_479 : vector<1024x192xi1>
    %lt3A_481 = arith.constant 3.200000e+01 : f32
    %lt3A_482 = vector.broadcast %lt3A_481 : f32 to vector<1024x192xf32>
    %lt3A_483 = arith.cmpf olt, %add3A_470, %lt3A_482 : vector<1024x192xf32>
    %and3A_484 = arith.andi %and3A_480, %lt3A_483 : vector<1024x192xi1>
    %jit3A_485 = arith.constant 0.000000e+00 : f32
    %jit3A_486 = arith.constant 3.100000e+01 : f32
    %max3A = vector.broadcast %jit3A_485 : f32 to vector<1024x192xf32>
    %max3A_487 = arith.maximumf %max3A, %add3A_468 : vector<1024x192xf32>
    %min3A = vector.broadcast %jit3A_486 : f32 to vector<1024x192xf32>
    %min3A_488 = arith.minimumf %min3A, %max3A_487 : vector<1024x192xf32>
    %convert_element_type3A_489 = arith.fptosi %min3A_488 : vector<1024x192xf32> to vector<1024x192xi32>
    %jit3A_490 = arith.constant 0.000000e+00 : f32
    %jit3A_491 = arith.constant 3.100000e+01 : f32
    %max3A_492 = vector.broadcast %jit3A_490 : f32 to vector<1024x192xf32>
    %max3A_493 = arith.maximumf %max3A_492, %add3A_470 : vector<1024x192xf32>
    %min3A_494 = vector.broadcast %jit3A_491 : f32 to vector<1024x192xf32>
    %min3A_495 = arith.minimumf %min3A_494, %max3A_493 : vector<1024x192xf32>
    %convert_element_type3A_496 = arith.fptosi %min3A_495 : vector<1024x192xf32> to vector<1024x192xi32>
    %mul3A_497 = arith.constant 32 : i32
    %mul3A_498 = arith.muli %arg0, %mul3A_497 : i32
    %add3A_499 = vector.broadcast %mul3A_498 : i32 to vector<1024x192xi32>
    %add3A_500 = arith.addi %add3A_499, %convert_element_type3A_496 : vector<1024x192xi32>
    %mul3A_501 = arith.constant 32 : i32
    %mul3A_502 = vector.broadcast %mul3A_501 : i32 to vector<1024x192xi32>
    %mul3A_503 = arith.muli %add3A_500, %mul3A_502 : vector<1024x192xi32>
    %add3A_504 = arith.addi %mul3A_503, %convert_element_type3A_489 : vector<1024x192xi32>
    %mul3A_505 = arith.constant 12 : i32
    %mul3A_506 = vector.broadcast %mul3A_505 : i32 to vector<1024x192xi32>
    %mul3A_507 = arith.muli %add3A_504, %mul3A_506 : vector<1024x192xi32>
    %add3A_508 = vector.broadcast %select_n3A_466 : vector<1x192xi32> to vector<1024x192xi32>
    %add3A_509 = arith.addi %mul3A_507, %add3A_508 : vector<1024x192xi32>
    %swap3A_510 = arith.constant 0 : index
    %swap3A_511 = arith.constant 0 : index
    %swap3A_512 = arith.constant 0 : index
    %swap3A_513 = vector.load %arg9[%swap3A_510, %swap3A_511, %swap3A_512] : memref<1x1024x192xi32, #tpu.memory_space<vmem>>, vector<1x1024x192xi32>
    %swap3A_514 = vector.shape_cast %swap3A_513 : vector<1x1024x192xi32> to vector<1024x192xi32>
    %swap3A_515 = vector.shape_cast %add3A_509 : vector<1024x192xi32> to vector<1x1024x192xi32>
    tpu.vector_store %arg9[%swap3A_510, %swap3A_511, %swap3A_512], %swap3A_515 {strides = array<i32>} : memref<1x1024x192xi32, #tpu.memory_space<vmem>>, vector<1x1024x192xi32>,
    %eq3A_516 = arith.constant 0.000000e+00 : f32
    %eq3A_517 = vector.broadcast %eq3A_516 : f32 to vector<1x192xf32>
    %eq3A_518 = arith.cmpf oeq, %convert_element_type3A_381, %eq3A_517 : vector<1x192xf32>
    %sub3A_519 = arith.constant 1.000000e+00 : f32
    %sub3A_520 = vector.broadcast %sub3A_519 : f32 to vector<1024x192xf32>
    %sub3A_521 = arith.subf %sub3A_520, %dot_general3A_295 : vector<1024x192xf32>
    %broadcast_in_dim3A_522 = vector.shape_cast %eq3A_518 : vector<1x192xi1> to vector<1x192xi1>
    %broadcast_in_dim3A_523 = vector.broadcast %broadcast_in_dim3A_522 : vector<1x192xi1> to vector<1024x192xi1>
    %select_n3A_524 = arith.select %broadcast_in_dim3A_523, %sub3A_521, %dot_general3A_295 : vector<1024x192xi1>, vector<1024x192xf32>
    %eq3A_525 = arith.constant 0.000000e+00 : f32
    %eq3A_526 = vector.broadcast %eq3A_525 : f32 to vector<1x192xf32>
    %eq3A_527 = arith.cmpf oeq, %convert_element_type3A_435, %eq3A_526 : vector<1x192xf32>
    %sub3A_528 = arith.constant 1.000000e+00 : f32
    %sub3A_529 = vector.broadcast %sub3A_528 : f32 to vector<1024x192xf32>
    %sub3A_530 = arith.subf %sub3A_529, %dot_general3A_297 : vector<1024x192xf32>
    %broadcast_in_dim3A_531 = vector.shape_cast %eq3A_527 : vector<1x192xi1> to vector<1x192xi1>
    %broadcast_in_dim3A_532 = vector.broadcast %broadcast_in_dim3A_531 : vector<1x192xi1> to vector<1024x192xi1>
    %select_n3A_533 = arith.select %broadcast_in_dim3A_532, %sub3A_530, %dot_general3A_297 : vector<1024x192xi1>, vector<1024x192xf32>
    %mul3A_534 = arith.mulf %dot_general3A_335, %select_n3A_524 : vector<1024x192xf32>
    %mul3A_535 = arith.mulf %mul3A_534, %select_n3A_533 : vector<1024x192xf32>
    %jit3A_536 = arith.constant 1.000000e+00 : f32
    %jit3A_537 = arith.constant 0.000000e+00 : f32
    %broadcast_in_dim3A_538 = vector.broadcast %jit3A_536 : f32 to vector<1024x192xf32>
    %broadcast_in_dim3A_539 = vector.broadcast %jit3A_537 : f32 to vector<1024x192xf32>
    %select_n3A_540 = arith.select %and3A_484, %broadcast_in_dim3A_538, %broadcast_in_dim3A_539 : vector<1024x192xi1>, vector<1024x192xf32>
    %mul3A_541 = arith.mulf %mul3A_535, %select_n3A_540 : vector<1024x192xf32>
    %swap3A_542 = arith.constant 0 : index
    %swap3A_543 = arith.constant 0 : index
    %swap3A_544 = arith.constant 0 : index
    %swap3A_545 = vector.load %arg10[%swap3A_542, %swap3A_543, %swap3A_544] : memref<1x1024x192xf32, #tpu.memory_space<vmem>>, vector<1x1024x192xf32>
    %swap3A_546 = vector.shape_cast %swap3A_545 : vector<1x1024x192xf32> to vector<1024x192xf32>
    %swap3A_547 = vector.shape_cast %mul3A_541 : vector<1024x192xf32> to vector<1x1024x192xf32>
    tpu.vector_store %arg10[%swap3A_542, %swap3A_543, %swap3A_544], %swap3A_547 {strides = array<i32>} : memref<1x1024x192xf32, #tpu.memory_space<vmem>>, vector<1x1024x192xf32>,
    return
  }
  func.func @transform_0(%arg0: i32) -> (i32, i32, i32) {
    %c0_i32 = arith.constant 0 : i32
    %c0_i32_0 = arith.constant 0 : i32
    %c0_i32_1 = arith.constant 0 : i32
    return %arg0, %c0_i32, %c0_i32_0 : i32, i32, i32
  }
  func.func @transform_1(%arg0: i32) -> (i32, i32) {
    %c0_i32 = arith.constant 0 : i32
    %c0_i32_0 = arith.constant 0 : i32
    %c0_i32_1 = arith.constant 0 : i32
    return %c0_i32, %c0_i32_0 : i32, i32
  }
  func.func @transform_2(%arg0: i32) -> (i32, i32) {
    %c0_i32 = arith.constant 0 : i32
    %c0_i32_0 = arith.constant 0 : i32
    %c0_i32_1 = arith.constant 0 : i32
    return %c0_i32, %c0_i32_0 : i32, i32
  }
  func.func @transform_3(%arg0: i32) -> (i32, i32) {
    %c0_i32 = arith.constant 0 : i32
    %c0_i32_0 = arith.constant 0 : i32
    %c0_i32_1 = arith.constant 0 : i32
    return %c0_i32, %c0_i32_0 : i32, i32
  }
  func.func @transform_4(%arg0: i32) -> (i32, i32) {
    %c0_i32 = arith.constant 0 : i32
    %c0_i32_0 = arith.constant 0 : i32
    %c0_i32_1 = arith.constant 0 : i32
    return %c0_i32, %c0_i32_0 : i32, i32
  }
  func.func @transform_5(%arg0: i32) -> (i32, i32) {
    %c0_i32 = arith.constant 0 : i32
    %c0_i32_0 = arith.constant 0 : i32
    %c0_i32_1 = arith.constant 0 : i32
    return %c0_i32, %c0_i32_0 : i32, i32
  }
  func.func @transform_6(%arg0: i32) -> (i32, i32) {
    %c0_i32 = arith.constant 0 : i32
    %c0_i32_0 = arith.constant 0 : i32
    %c0_i32_1 = arith.constant 0 : i32
    return %c0_i32, %c0_i32_0 : i32, i32
  }
  func.func @transform_7(%arg0: i32) -> (i32, i32, i32) {
    %c0_i32 = arith.constant 0 : i32
    %c0_i32_0 = arith.constant 0 : i32
    %c0_i32_1 = arith.constant 0 : i32
    return %arg0, %c0_i32, %c0_i32_0 : i32, i32, i32
  }
  func.func @transform_8(%arg0: i32) -> (i32, i32, i32) {
    %c0_i32 = arith.constant 0 : i32
    %c0_i32_0 = arith.constant 0 : i32
    %c0_i32_1 = arith.constant 0 : i32
    return %arg0, %c0_i32, %c0_i32_0 : i32, i32, i32
  }
  func.func @transform_9(%arg0: i32) -> (i32, i32, i32) {
    %c0_i32 = arith.constant 0 : i32
    %c0_i32_0 = arith.constant 0 : i32
    %c0_i32_1 = arith.constant 0 : i32
    return %arg0, %c0_i32, %c0_i32_0 : i32, i32, i32
  }
}

module attributes {stable_mosaic.version = 14 : i64} {
  func.func @_reduce_ffn_body(%arg0: i32, %arg1: i32, %arg2: memref<1x512x6144xf32, #tpu.memory_space<vmem>>, %arg3: memref<1x512x192xf32, #tpu.memory_space<vmem>>, %arg4: memref<1x512x384xf32, #tpu.memory_space<vmem>>, %arg5: memref<384x384xf32, #tpu.memory_space<vmem>>, %arg6: memref<1x384xf32, #tpu.memory_space<vmem>>, %arg7: memref<384x2048xf32, #tpu.memory_space<vmem>>, %arg8: memref<1x2048xf32, #tpu.memory_space<vmem>>, %arg9: memref<2048x384xf32, #tpu.memory_space<vmem>>, %arg10: memref<1x384xf32, #tpu.memory_space<vmem>>, %arg11: memref<1x384xf32, #tpu.memory_space<vmem>>, %arg12: memref<1x384xf32, #tpu.memory_space<vmem>>, %arg13: memref<1x384xf32, #tpu.memory_space<vmem>>, %arg14: memref<1x384xf32, #tpu.memory_space<vmem>>, %arg15: memref<1x512x384xf32, #tpu.memory_space<vmem>>) attributes {dimension_semantics = [#tpu.dimension_semantics<arbitrary>, #tpu.dimension_semantics<arbitrary>], iteration_bounds = array<i64: 4, 2>, scalar_prefetch = 0 : i64, scratch_operands = 0 : i64, tpu.core_type = #tpu.core_type<tc>, window_params = [{transform_indices = @transform_0, window_bounds = array<i64: 1, 512, 6144>}, {transform_indices = @transform_1, window_bounds = array<i64: 1, 512, 192>}, {transform_indices = @transform_2, window_bounds = array<i64: 1, 512, 384>}, {pipeline_mode = #tpu.pipeline_mode<synchronous>, transform_indices = @transform_3, window_bounds = array<i64: 384, 384>}, {pipeline_mode = #tpu.pipeline_mode<synchronous>, transform_indices = @transform_4, window_bounds = array<i64: 1, 384>}, {pipeline_mode = #tpu.pipeline_mode<synchronous>, transform_indices = @transform_5, window_bounds = array<i64: 384, 2048>}, {pipeline_mode = #tpu.pipeline_mode<synchronous>, transform_indices = @transform_6, window_bounds = array<i64: 1, 2048>}, {pipeline_mode = #tpu.pipeline_mode<synchronous>, transform_indices = @transform_7, window_bounds = array<i64: 2048, 384>}, {pipeline_mode = #tpu.pipeline_mode<synchronous>, transform_indices = @transform_8, window_bounds = array<i64: 1, 384>}, {pipeline_mode = #tpu.pipeline_mode<synchronous>, transform_indices = @transform_9, window_bounds = array<i64: 1, 384>}, {pipeline_mode = #tpu.pipeline_mode<synchronous>, transform_indices = @transform_10, window_bounds = array<i64: 1, 384>}, {pipeline_mode = #tpu.pipeline_mode<synchronous>, transform_indices = @transform_11, window_bounds = array<i64: 1, 384>}, {pipeline_mode = #tpu.pipeline_mode<synchronous>, transform_indices = @transform_12, window_bounds = array<i64: 1, 384>}, {transform_indices = @transform_13, window_bounds = array<i64: 1, 512, 384>}]} {
    %get3A = arith.constant 0 : index
    %get3A_0 = arith.constant 0 : index
    %get3A_1 = arith.constant 0 : index
    %get3A_2 = vector.load %arg4[%get3A, %get3A_0, %get3A_1] : memref<1x512x384xf32, #tpu.memory_space<vmem>>, vector<1x512x384xf32>
    %get3A_3 = vector.shape_cast %get3A_2 : vector<1x512x384xf32> to vector<512x384xf32>
    %get3A_4 = arith.constant 0 : index
    %get3A_5 = arith.constant 0 : index
    %get3A_6 = arith.constant 0 : index
    %get3A_7 = vector.load %arg2[%get3A_4, %get3A_5, %get3A_6] : memref<1x512x6144xf32, #tpu.memory_space<vmem>>, vector<1x512x6144xf32>
    %get3A_8 = vector.shape_cast %get3A_7 : vector<1x512x6144xf32> to vector<512x6144xf32>
    %get3A_9 = arith.constant 0 : index
    %get3A_10 = arith.constant 0 : index
    %get3A_11 = arith.constant 0 : index
    %get3A_12 = vector.load %arg3[%get3A_9, %get3A_10, %get3A_11] : memref<1x512x192xf32, #tpu.memory_space<vmem>>, vector<1x512x192xf32>
    %get3A_13 = vector.shape_cast %get3A_12 : vector<1x512x192xf32> to vector<512x192xf32>
    %iota3A = tpu.iota {dimensions = array<i32: 0>} : vector<16x512xi32>
    %iota3A_14 = tpu.iota {dimensions = array<i32: 1>} : vector<16x512xi32>
    %jit3A = arith.constant 32 : i32
    %div3A = vector.broadcast %jit3A : i32 to vector<16x512xi32>
    %div3A_15 = arith.divsi %iota3A_14, %div3A : vector<16x512xi32>
    %sign3A = arith.constant 0 : i32
    %sign3A_16 = vector.broadcast %sign3A : i32 to vector<16x512xi32>
    %sign3A_17 = arith.cmpi sgt, %iota3A_14, %sign3A_16 : vector<16x512xi32>
    %sign3A_18 = arith.extui %sign3A_17 : vector<16x512xi1> to vector<16x512xi32>
    %sign3A_19 = arith.constant 0 : i32
    %sign3A_20 = vector.broadcast %sign3A_19 : i32 to vector<16x512xi32>
    %sign3A_21 = arith.cmpi slt, %iota3A_14, %sign3A_20 : vector<16x512xi32>
    %sign3A_22 = arith.extui %sign3A_21 : vector<16x512xi1> to vector<16x512xi32>
    %sign3A_23 = arith.subi %sign3A_18, %sign3A_22 : vector<16x512xi32>
    %sign3A_24 = arith.constant 0 : i32
    %sign3A_25 = arith.cmpi sgt, %jit3A, %sign3A_24 : i32
    %sign3A_26 = arith.extui %sign3A_25 : i1 to i32
    %sign3A_27 = arith.constant 0 : i32
    %sign3A_28 = arith.cmpi slt, %jit3A, %sign3A_27 : i32
    %sign3A_29 = arith.extui %sign3A_28 : i1 to i32
    %sign3A_30 = arith.subi %sign3A_26, %sign3A_29 : i32
    %ne3A = vector.broadcast %sign3A_30 : i32 to vector<16x512xi32>
    %ne3A_31 = arith.cmpi ne, %sign3A_23, %ne3A : vector<16x512xi32>
    %rem3A = vector.broadcast %jit3A : i32 to vector<16x512xi32>
    %rem3A_32 = arith.remsi %iota3A_14, %rem3A : vector<16x512xi32>
    %ne3A_33 = arith.constant 0 : i32
    %ne3A_34 = vector.broadcast %ne3A_33 : i32 to vector<16x512xi32>
    %ne3A_35 = arith.cmpi ne, %rem3A_32, %ne3A_34 : vector<16x512xi32>
    %and3A = arith.andi %ne3A_31, %ne3A_35 : vector<16x512xi1>
    %sub3A = arith.constant 1 : i32
    %sub3A_36 = vector.broadcast %sub3A : i32 to vector<16x512xi32>
    %sub3A_37 = arith.subi %div3A_15, %sub3A_36 : vector<16x512xi32>
    %select_n3A = arith.select %and3A, %sub3A_37, %div3A_15 : vector<16x512xi1>, vector<16x512xi32>
    %eq3A = arith.cmpi eq, %iota3A, %select_n3A : vector<16x512xi32>
    %convert_element_type3A = arith.extui %eq3A : vector<16x512xi1> to vector<16x512xi32>
    %convert_element_type3A_38 = arith.sitofp %convert_element_type3A : vector<16x512xi32> to vector<16x512xf32>
    %iota3A_39 = tpu.iota {dimensions = array<i32: 0>} : vector<512x32xi32>
    %iota3A_40 = tpu.iota {dimensions = array<i32: 1>} : vector<512x32xi32>
    %jit3A_41 = arith.constant 32 : i32
    %eq3A_42 = arith.constant 0 : i32
    %eq3A_43 = arith.cmpi eq, %jit3A_41, %eq3A_42 : i32
    %jit3A_44 = arith.constant 1 : i32
    %select_n3A_45 = arith.select %eq3A_43, %jit3A_44, %jit3A_41 : i32
    %rem3A_46 = vector.broadcast %select_n3A_45 : i32 to vector<512x32xi32>
    %rem3A_47 = arith.remsi %iota3A_39, %rem3A_46 : vector<512x32xi32>
    %ne3A_48 = arith.constant 0 : i32
    %ne3A_49 = vector.broadcast %ne3A_48 : i32 to vector<512x32xi32>
    %ne3A_50 = arith.cmpi ne, %rem3A_47, %ne3A_49 : vector<512x32xi32>
    %lt3A = arith.constant 0 : i32
    %lt3A_51 = vector.broadcast %lt3A : i32 to vector<512x32xi32>
    %lt3A_52 = arith.cmpi slt, %rem3A_47, %lt3A_51 : vector<512x32xi32>
    %lt3A_53 = arith.constant 0 : i32
    %lt3A_54 = arith.cmpi slt, %select_n3A_45, %lt3A_53 : i32
    %ne3A_55 = vector.broadcast %lt3A_54 : i1 to vector<512x32xi1>
    %ne3A_56 = vector.broadcast %ne3A_55 : vector<512x32xi1> to vector<512x32xi1>
    %ne3A_57 = arith.xori %lt3A_52, %ne3A_56 : vector<512x32xi1>
    %and3A_58 = arith.andi %ne3A_57, %ne3A_50 : vector<512x32xi1>
    %add3A = vector.broadcast %select_n3A_45 : i32 to vector<512x32xi32>
    %add3A_59 = arith.addi %rem3A_47, %add3A : vector<512x32xi32>
    %select_n3A_60 = arith.select %and3A_58, %add3A_59, %rem3A_47 : vector<512x32xi1>, vector<512x32xi32>
    %eq3A_61 = arith.cmpi eq, %select_n3A_60, %iota3A_40 : vector<512x32xi32>
    %convert_element_type3A_62 = arith.extui %eq3A_61 : vector<512x32xi1> to vector<512x32xi32>
    %convert_element_type3A_63 = arith.sitofp %convert_element_type3A_62 : vector<512x32xi32> to vector<512x32xf32>
    %slice3A = vector.extract_strided_slice %get3A_13 {offsets = [0, 0], sizes = [512, 16], strides = [1, 1]} : vector<512x192xf32> to vector<512x16xf32>
    %slice3A_64 = vector.extract_strided_slice %get3A_8 {offsets = [0, 0], sizes = [512, 512], strides = [1, 1]} : vector<512x6144xf32> to vector<512x512xf32>
    %dot_general3A = arith.constant dense<0.000000e+00> : vector<512x512xf32>
    %dot_general3A_65 = tpu.matmul %slice3A, %convert_element_type3A_38, %dot_general3A {dimension_numbers = #tpu.dot_dimension_numbers<[1], [0], [0], [1], [0, 0, 1, 1], [], []>, transpose_lhs_hint = false} : vector<512x16xf32>, vector<16x512xf32>, vector<512x512xf32> -> vector<512x512xf32>
    %mul3A = arith.mulf %dot_general3A_65, %slice3A_64 : vector<512x512xf32>
    %dot_general3A_66 = arith.constant dense<0.000000e+00> : vector<512x32xf32>
    %dot_general3A_67 = tpu.matmul %mul3A, %convert_element_type3A_63, %dot_general3A_66 {dimension_numbers = #tpu.dot_dimension_numbers<[1], [0], [0], [1], [0, 0, 1, 1], [], []>, transpose_lhs_hint = false} : vector<512x512xf32>, vector<512x32xf32>, vector<512x32xf32> -> vector<512x32xf32>
    %slice3A_68 = vector.extract_strided_slice %get3A_13 {offsets = [0, 16], sizes = [512, 16], strides = [1, 1]} : vector<512x192xf32> to vector<512x16xf32>
    %slice3A_69 = vector.extract_strided_slice %get3A_8 {offsets = [0, 512], sizes = [512, 512], strides = [1, 1]} : vector<512x6144xf32> to vector<512x512xf32>
    %dot_general3A_70 = arith.constant dense<0.000000e+00> : vector<512x512xf32>
    %dot_general3A_71 = tpu.matmul %slice3A_68, %convert_element_type3A_38, %dot_general3A_70 {dimension_numbers = #tpu.dot_dimension_numbers<[1], [0], [0], [1], [0, 0, 1, 1], [], []>, transpose_lhs_hint = false} : vector<512x16xf32>, vector<16x512xf32>, vector<512x512xf32> -> vector<512x512xf32>
    %mul3A_72 = arith.mulf %dot_general3A_71, %slice3A_69 : vector<512x512xf32>
    %dot_general3A_73 = arith.constant dense<0.000000e+00> : vector<512x32xf32>
    %dot_general3A_74 = tpu.matmul %mul3A_72, %convert_element_type3A_63, %dot_general3A_73 {dimension_numbers = #tpu.dot_dimension_numbers<[1], [0], [0], [1], [0, 0, 1, 1], [], []>, transpose_lhs_hint = false} : vector<512x512xf32>, vector<512x32xf32>, vector<512x32xf32> -> vector<512x32xf32>
    %slice3A_75 = vector.extract_strided_slice %get3A_13 {offsets = [0, 32], sizes = [512, 16], strides = [1, 1]} : vector<512x192xf32> to vector<512x16xf32>
    %slice3A_76 = vector.extract_strided_slice %get3A_8 {offsets = [0, 1024], sizes = [512, 512], strides = [1, 1]} : vector<512x6144xf32> to vector<512x512xf32>
    %dot_general3A_77 = arith.constant dense<0.000000e+00> : vector<512x512xf32>
    %dot_general3A_78 = tpu.matmul %slice3A_75, %convert_element_type3A_38, %dot_general3A_77 {dimension_numbers = #tpu.dot_dimension_numbers<[1], [0], [0], [1], [0, 0, 1, 1], [], []>, transpose_lhs_hint = false} : vector<512x16xf32>, vector<16x512xf32>, vector<512x512xf32> -> vector<512x512xf32>
    %mul3A_79 = arith.mulf %dot_general3A_78, %slice3A_76 : vector<512x512xf32>
    %dot_general3A_80 = arith.constant dense<0.000000e+00> : vector<512x32xf32>
    %dot_general3A_81 = tpu.matmul %mul3A_79, %convert_element_type3A_63, %dot_general3A_80 {dimension_numbers = #tpu.dot_dimension_numbers<[1], [0], [0], [1], [0, 0, 1, 1], [], []>, transpose_lhs_hint = false} : vector<512x512xf32>, vector<512x32xf32>, vector<512x32xf32> -> vector<512x32xf32>
    %slice3A_82 = vector.extract_strided_slice %get3A_13 {offsets = [0, 48], sizes = [512, 16], strides = [1, 1]} : vector<512x192xf32> to vector<512x16xf32>
    %slice3A_83 = vector.extract_strided_slice %get3A_8 {offsets = [0, 1536], sizes = [512, 512], strides = [1, 1]} : vector<512x6144xf32> to vector<512x512xf32>
    %dot_general3A_84 = arith.constant dense<0.000000e+00> : vector<512x512xf32>
    %dot_general3A_85 = tpu.matmul %slice3A_82, %convert_element_type3A_38, %dot_general3A_84 {dimension_numbers = #tpu.dot_dimension_numbers<[1], [0], [0], [1], [0, 0, 1, 1], [], []>, transpose_lhs_hint = false} : vector<512x16xf32>, vector<16x512xf32>, vector<512x512xf32> -> vector<512x512xf32>
    %mul3A_86 = arith.mulf %dot_general3A_85, %slice3A_83 : vector<512x512xf32>
    %dot_general3A_87 = arith.constant dense<0.000000e+00> : vector<512x32xf32>
    %dot_general3A_88 = tpu.matmul %mul3A_86, %convert_element_type3A_63, %dot_general3A_87 {dimension_numbers = #tpu.dot_dimension_numbers<[1], [0], [0], [1], [0, 0, 1, 1], [], []>, transpose_lhs_hint = false} : vector<512x512xf32>, vector<512x32xf32>, vector<512x32xf32> -> vector<512x32xf32>
    %slice3A_89 = vector.extract_strided_slice %get3A_13 {offsets = [0, 64], sizes = [512, 16], strides = [1, 1]} : vector<512x192xf32> to vector<512x16xf32>
    %slice3A_90 = vector.extract_strided_slice %get3A_8 {offsets = [0, 2048], sizes = [512, 512], strides = [1, 1]} : vector<512x6144xf32> to vector<512x512xf32>
    %dot_general3A_91 = arith.constant dense<0.000000e+00> : vector<512x512xf32>
    %dot_general3A_92 = tpu.matmul %slice3A_89, %convert_element_type3A_38, %dot_general3A_91 {dimension_numbers = #tpu.dot_dimension_numbers<[1], [0], [0], [1], [0, 0, 1, 1], [], []>, transpose_lhs_hint = false} : vector<512x16xf32>, vector<16x512xf32>, vector<512x512xf32> -> vector<512x512xf32>
    %mul3A_93 = arith.mulf %dot_general3A_92, %slice3A_90 : vector<512x512xf32>
    %dot_general3A_94 = arith.constant dense<0.000000e+00> : vector<512x32xf32>
    %dot_general3A_95 = tpu.matmul %mul3A_93, %convert_element_type3A_63, %dot_general3A_94 {dimension_numbers = #tpu.dot_dimension_numbers<[1], [0], [0], [1], [0, 0, 1, 1], [], []>, transpose_lhs_hint = false} : vector<512x512xf32>, vector<512x32xf32>, vector<512x32xf32> -> vector<512x32xf32>
    %slice3A_96 = vector.extract_strided_slice %get3A_13 {offsets = [0, 80], sizes = [512, 16], strides = [1, 1]} : vector<512x192xf32> to vector<512x16xf32>
    %slice3A_97 = vector.extract_strided_slice %get3A_8 {offsets = [0, 2560], sizes = [512, 512], strides = [1, 1]} : vector<512x6144xf32> to vector<512x512xf32>
    %dot_general3A_98 = arith.constant dense<0.000000e+00> : vector<512x512xf32>
    %dot_general3A_99 = tpu.matmul %slice3A_96, %convert_element_type3A_38, %dot_general3A_98 {dimension_numbers = #tpu.dot_dimension_numbers<[1], [0], [0], [1], [0, 0, 1, 1], [], []>, transpose_lhs_hint = false} : vector<512x16xf32>, vector<16x512xf32>, vector<512x512xf32> -> vector<512x512xf32>
    %mul3A_100 = arith.mulf %dot_general3A_99, %slice3A_97 : vector<512x512xf32>
    %dot_general3A_101 = arith.constant dense<0.000000e+00> : vector<512x32xf32>
    %dot_general3A_102 = tpu.matmul %mul3A_100, %convert_element_type3A_63, %dot_general3A_101 {dimension_numbers = #tpu.dot_dimension_numbers<[1], [0], [0], [1], [0, 0, 1, 1], [], []>, transpose_lhs_hint = false} : vector<512x512xf32>, vector<512x32xf32>, vector<512x32xf32> -> vector<512x32xf32>
    %slice3A_103 = vector.extract_strided_slice %get3A_13 {offsets = [0, 96], sizes = [512, 16], strides = [1, 1]} : vector<512x192xf32> to vector<512x16xf32>
    %slice3A_104 = vector.extract_strided_slice %get3A_8 {offsets = [0, 3072], sizes = [512, 512], strides = [1, 1]} : vector<512x6144xf32> to vector<512x512xf32>
    %dot_general3A_105 = arith.constant dense<0.000000e+00> : vector<512x512xf32>
    %dot_general3A_106 = tpu.matmul %slice3A_103, %convert_element_type3A_38, %dot_general3A_105 {dimension_numbers = #tpu.dot_dimension_numbers<[1], [0], [0], [1], [0, 0, 1, 1], [], []>, transpose_lhs_hint = false} : vector<512x16xf32>, vector<16x512xf32>, vector<512x512xf32> -> vector<512x512xf32>
    %mul3A_107 = arith.mulf %dot_general3A_106, %slice3A_104 : vector<512x512xf32>
    %dot_general3A_108 = arith.constant dense<0.000000e+00> : vector<512x32xf32>
    %dot_general3A_109 = tpu.matmul %mul3A_107, %convert_element_type3A_63, %dot_general3A_108 {dimension_numbers = #tpu.dot_dimension_numbers<[1], [0], [0], [1], [0, 0, 1, 1], [], []>, transpose_lhs_hint = false} : vector<512x512xf32>, vector<512x32xf32>, vector<512x32xf32> -> vector<512x32xf32>
    %slice3A_110 = vector.extract_strided_slice %get3A_13 {offsets = [0, 112], sizes = [512, 16], strides = [1, 1]} : vector<512x192xf32> to vector<512x16xf32>
    %slice3A_111 = vector.extract_strided_slice %get3A_8 {offsets = [0, 3584], sizes = [512, 512], strides = [1, 1]} : vector<512x6144xf32> to vector<512x512xf32>
    %dot_general3A_112 = arith.constant dense<0.000000e+00> : vector<512x512xf32>
    %dot_general3A_113 = tpu.matmul %slice3A_110, %convert_element_type3A_38, %dot_general3A_112 {dimension_numbers = #tpu.dot_dimension_numbers<[1], [0], [0], [1], [0, 0, 1, 1], [], []>, transpose_lhs_hint = false} : vector<512x16xf32>, vector<16x512xf32>, vector<512x512xf32> -> vector<512x512xf32>
    %mul3A_114 = arith.mulf %dot_general3A_113, %slice3A_111 : vector<512x512xf32>
    %dot_general3A_115 = arith.constant dense<0.000000e+00> : vector<512x32xf32>
    %dot_general3A_116 = tpu.matmul %mul3A_114, %convert_element_type3A_63, %dot_general3A_115 {dimension_numbers = #tpu.dot_dimension_numbers<[1], [0], [0], [1], [0, 0, 1, 1], [], []>, transpose_lhs_hint = false} : vector<512x512xf32>, vector<512x32xf32>, vector<512x32xf32> -> vector<512x32xf32>
    %slice3A_117 = vector.extract_strided_slice %get3A_13 {offsets = [0, 128], sizes = [512, 16], strides = [1, 1]} : vector<512x192xf32> to vector<512x16xf32>
    %slice3A_118 = vector.extract_strided_slice %get3A_8 {offsets = [0, 4096], sizes = [512, 512], strides = [1, 1]} : vector<512x6144xf32> to vector<512x512xf32>
    %dot_general3A_119 = arith.constant dense<0.000000e+00> : vector<512x512xf32>
    %dot_general3A_120 = tpu.matmul %slice3A_117, %convert_element_type3A_38, %dot_general3A_119 {dimension_numbers = #tpu.dot_dimension_numbers<[1], [0], [0], [1], [0, 0, 1, 1], [], []>, transpose_lhs_hint = false} : vector<512x16xf32>, vector<16x512xf32>, vector<512x512xf32> -> vector<512x512xf32>
    %mul3A_121 = arith.mulf %dot_general3A_120, %slice3A_118 : vector<512x512xf32>
    %dot_general3A_122 = arith.constant dense<0.000000e+00> : vector<512x32xf32>
    %dot_general3A_123 = tpu.matmul %mul3A_121, %convert_element_type3A_63, %dot_general3A_122 {dimension_numbers = #tpu.dot_dimension_numbers<[1], [0], [0], [1], [0, 0, 1, 1], [], []>, transpose_lhs_hint = false} : vector<512x512xf32>, vector<512x32xf32>, vector<512x32xf32> -> vector<512x32xf32>
    %slice3A_124 = vector.extract_strided_slice %get3A_13 {offsets = [0, 144], sizes = [512, 16], strides = [1, 1]} : vector<512x192xf32> to vector<512x16xf32>
    %slice3A_125 = vector.extract_strided_slice %get3A_8 {offsets = [0, 4608], sizes = [512, 512], strides = [1, 1]} : vector<512x6144xf32> to vector<512x512xf32>
    %dot_general3A_126 = arith.constant dense<0.000000e+00> : vector<512x512xf32>
    %dot_general3A_127 = tpu.matmul %slice3A_124, %convert_element_type3A_38, %dot_general3A_126 {dimension_numbers = #tpu.dot_dimension_numbers<[1], [0], [0], [1], [0, 0, 1, 1], [], []>, transpose_lhs_hint = false} : vector<512x16xf32>, vector<16x512xf32>, vector<512x512xf32> -> vector<512x512xf32>
    %mul3A_128 = arith.mulf %dot_general3A_127, %slice3A_125 : vector<512x512xf32>
    %dot_general3A_129 = arith.constant dense<0.000000e+00> : vector<512x32xf32>
    %dot_general3A_130 = tpu.matmul %mul3A_128, %convert_element_type3A_63, %dot_general3A_129 {dimension_numbers = #tpu.dot_dimension_numbers<[1], [0], [0], [1], [0, 0, 1, 1], [], []>, transpose_lhs_hint = false} : vector<512x512xf32>, vector<512x32xf32>, vector<512x32xf32> -> vector<512x32xf32>
    %slice3A_131 = vector.extract_strided_slice %get3A_13 {offsets = [0, 160], sizes = [512, 16], strides = [1, 1]} : vector<512x192xf32> to vector<512x16xf32>
    %slice3A_132 = vector.extract_strided_slice %get3A_8 {offsets = [0, 5120], sizes = [512, 512], strides = [1, 1]} : vector<512x6144xf32> to vector<512x512xf32>
    %dot_general3A_133 = arith.constant dense<0.000000e+00> : vector<512x512xf32>
    %dot_general3A_134 = tpu.matmul %slice3A_131, %convert_element_type3A_38, %dot_general3A_133 {dimension_numbers = #tpu.dot_dimension_numbers<[1], [0], [0], [1], [0, 0, 1, 1], [], []>, transpose_lhs_hint = false} : vector<512x16xf32>, vector<16x512xf32>, vector<512x512xf32> -> vector<512x512xf32>
    %mul3A_135 = arith.mulf %dot_general3A_134, %slice3A_132 : vector<512x512xf32>
    %dot_general3A_136 = arith.constant dense<0.000000e+00> : vector<512x32xf32>
    %dot_general3A_137 = tpu.matmul %mul3A_135, %convert_element_type3A_63, %dot_general3A_136 {dimension_numbers = #tpu.dot_dimension_numbers<[1], [0], [0], [1], [0, 0, 1, 1], [], []>, transpose_lhs_hint = false} : vector<512x512xf32>, vector<512x32xf32>, vector<512x32xf32> -> vector<512x32xf32>
    %slice3A_138 = vector.extract_strided_slice %get3A_13 {offsets = [0, 176], sizes = [512, 16], strides = [1, 1]} : vector<512x192xf32> to vector<512x16xf32>
    %slice3A_139 = vector.extract_strided_slice %get3A_8 {offsets = [0, 5632], sizes = [512, 512], strides = [1, 1]} : vector<512x6144xf32> to vector<512x512xf32>
    %dot_general3A_140 = arith.constant dense<0.000000e+00> : vector<512x512xf32>
    %dot_general3A_141 = tpu.matmul %slice3A_138, %convert_element_type3A_38, %dot_general3A_140 {dimension_numbers = #tpu.dot_dimension_numbers<[1], [0], [0], [1], [0, 0, 1, 1], [], []>, transpose_lhs_hint = false} : vector<512x16xf32>, vector<16x512xf32>, vector<512x512xf32> -> vector<512x512xf32>
    %mul3A_142 = arith.mulf %dot_general3A_141, %slice3A_139 : vector<512x512xf32>
    %dot_general3A_143 = arith.constant dense<0.000000e+00> : vector<512x32xf32>
    %dot_general3A_144 = tpu.matmul %mul3A_142, %convert_element_type3A_63, %dot_general3A_143 {dimension_numbers = #tpu.dot_dimension_numbers<[1], [0], [0], [1], [0, 0, 1, 1], [], []>, transpose_lhs_hint = false} : vector<512x512xf32>, vector<512x32xf32>, vector<512x32xf32> -> vector<512x32xf32>
    %concatenate3A = tpu.concatenate %dot_general3A_67, %dot_general3A_74, %dot_general3A_81, %dot_general3A_88, %dot_general3A_95, %dot_general3A_102, %dot_general3A_109, %dot_general3A_116, %dot_general3A_123, %dot_general3A_130, %dot_general3A_137, %dot_general3A_144 in 1 : vector<512x32xf32>, vector<512x32xf32>, vector<512x32xf32>, vector<512x32xf32>, vector<512x32xf32>, vector<512x32xf32>, vector<512x32xf32>, vector<512x32xf32>, vector<512x32xf32>, vector<512x32xf32>, vector<512x32xf32>, vector<512x32xf32> -> vector<512x384xf32>
    %get3A_145 = arith.constant 0 : index
    %get3A_146 = arith.constant 0 : index
    %get3A_147 = vector.load %arg5[%get3A_145, %get3A_146] : memref<384x384xf32, #tpu.memory_space<vmem>>, vector<384x384xf32>
    %dot_general3A_148 = arith.constant dense<0.000000e+00> : vector<512x384xf32>
    %dot_general3A_149 = tpu.matmul %concatenate3A, %get3A_147, %dot_general3A_148 {dimension_numbers = #tpu.dot_dimension_numbers<[1], [0], [0], [1], [0, 0, 1, 1], [], []>, transpose_lhs_hint = false} : vector<512x384xf32>, vector<384x384xf32>, vector<512x384xf32> -> vector<512x384xf32>
    %get3A_150 = arith.constant 0 : index
    %get3A_151 = arith.constant 0 : index
    %get3A_152 = vector.load %arg6[%get3A_150, %get3A_151] : memref<1x384xf32, #tpu.memory_space<vmem>>, vector<1x384xf32>
    %add3A_153 = vector.broadcast %get3A_152 : vector<1x384xf32> to vector<512x384xf32>
    %add3A_154 = arith.addf %dot_general3A_149, %add3A_153 : vector<512x384xf32>
    %add3A_155 = arith.addf %get3A_3, %add3A_154 : vector<512x384xf32>
    %get3A_156 = arith.constant 0 : index
    %get3A_157 = arith.constant 0 : index
    %get3A_158 = vector.load %arg11[%get3A_156, %get3A_157] : memref<1x384xf32, #tpu.memory_space<vmem>>, vector<1x384xf32>
    %get3A_159 = arith.constant 0 : index
    %get3A_160 = arith.constant 0 : index
    %get3A_161 = vector.load %arg12[%get3A_159, %get3A_160] : memref<1x384xf32, #tpu.memory_space<vmem>>, vector<1x384xf32>
    %reduce_sum3A = arith.constant dense<0.000000e+00> : vector<512xf32>
    %reduce_sum3A_162 = vector.multi_reduction <add>, %add3A_155, %reduce_sum3A [1] : vector<512x384xf32> to vector<512xf32>
    %broadcast_in_dim3A = vector.shape_cast %reduce_sum3A_162 : vector<512xf32> to vector<512x1xf32>
    %div3A_163 = arith.constant 3.840000e+02 : f32
    %div3A_164 = vector.broadcast %div3A_163 : f32 to vector<512x1xf32>
    %div3A_165 = arith.divf %broadcast_in_dim3A, %div3A_164 : vector<512x1xf32>
    %sub3A_166 = vector.broadcast %div3A_165 : vector<512x1xf32> to vector<512x384xf32>
    %sub3A_167 = arith.subf %add3A_155, %sub3A_166 : vector<512x384xf32>
    %mul3A_168 = arith.mulf %sub3A_167, %sub3A_167 : vector<512x384xf32>
    %reduce_sum3A_169 = arith.constant dense<0.000000e+00> : vector<512xf32>
    %reduce_sum3A_170 = vector.multi_reduction <add>, %mul3A_168, %reduce_sum3A_169 [1] : vector<512x384xf32> to vector<512xf32>
    %broadcast_in_dim3A_171 = vector.shape_cast %reduce_sum3A_170 : vector<512xf32> to vector<512x1xf32>
    %div3A_172 = arith.constant 3.840000e+02 : f32
    %div3A_173 = vector.broadcast %div3A_172 : f32 to vector<512x1xf32>
    %div3A_174 = arith.divf %broadcast_in_dim3A_171, %div3A_173 : vector<512x1xf32>
    %add3A_175 = arith.constant 9.99999974E-6 : f32
    %add3A_176 = vector.broadcast %add3A_175 : f32 to vector<512x1xf32>
    %add3A_177 = arith.addf %div3A_174, %add3A_176 : vector<512x1xf32>
    %rsqrt3A = math.rsqrt %add3A_177 : vector<512x1xf32>
    %mul3A_178 = vector.broadcast %rsqrt3A : vector<512x1xf32> to vector<512x384xf32>
    %mul3A_179 = arith.mulf %sub3A_167, %mul3A_178 : vector<512x384xf32>
    %mul3A_180 = vector.broadcast %get3A_158 : vector<1x384xf32> to vector<512x384xf32>
    %mul3A_181 = arith.mulf %mul3A_179, %mul3A_180 : vector<512x384xf32>
    %add3A_182 = vector.broadcast %get3A_161 : vector<1x384xf32> to vector<512x384xf32>
    %add3A_183 = arith.addf %mul3A_181, %add3A_182 : vector<512x384xf32>
    %get3A_184 = arith.constant 0 : index
    %get3A_185 = arith.constant 0 : index
    %get3A_186 = vector.load %arg7[%get3A_184, %get3A_185] : memref<384x2048xf32, #tpu.memory_space<vmem>>, vector<384x2048xf32>
    %dot_general3A_187 = arith.constant dense<0.000000e+00> : vector<512x2048xf32>
    %dot_general3A_188 = tpu.matmul %add3A_183, %get3A_186, %dot_general3A_187 {dimension_numbers = #tpu.dot_dimension_numbers<[1], [0], [0], [1], [0, 0, 1, 1], [], []>, transpose_lhs_hint = false} : vector<512x384xf32>, vector<384x2048xf32>, vector<512x2048xf32> -> vector<512x2048xf32>
    %get3A_189 = arith.constant 0 : index
    %get3A_190 = arith.constant 0 : index
    %get3A_191 = vector.load %arg8[%get3A_189, %get3A_190] : memref<1x2048xf32, #tpu.memory_space<vmem>>, vector<1x2048xf32>
    %add3A_192 = vector.broadcast %get3A_191 : vector<1x2048xf32> to vector<512x2048xf32>
    %add3A_193 = arith.addf %dot_general3A_188, %add3A_192 : vector<512x2048xf32>
    %max3A = arith.constant 0.000000e+00 : f32
    %max3A_194 = vector.broadcast %max3A : f32 to vector<512x2048xf32>
    %max3A_195 = arith.maximumf %add3A_193, %max3A_194 : vector<512x2048xf32>
    %get3A_196 = arith.constant 0 : index
    %get3A_197 = arith.constant 0 : index
    %get3A_198 = vector.load %arg9[%get3A_196, %get3A_197] : memref<2048x384xf32, #tpu.memory_space<vmem>>, vector<2048x384xf32>
    %dot_general3A_199 = arith.constant dense<0.000000e+00> : vector<512x384xf32>
    %dot_general3A_200 = tpu.matmul %max3A_195, %get3A_198, %dot_general3A_199 {dimension_numbers = #tpu.dot_dimension_numbers<[1], [0], [0], [1], [0, 0, 1, 1], [], []>, transpose_lhs_hint = false} : vector<512x2048xf32>, vector<2048x384xf32>, vector<512x384xf32> -> vector<512x384xf32>
    %get3A_201 = arith.constant 0 : index
    %get3A_202 = arith.constant 0 : index
    %get3A_203 = vector.load %arg10[%get3A_201, %get3A_202] : memref<1x384xf32, #tpu.memory_space<vmem>>, vector<1x384xf32>
    %add3A_204 = vector.broadcast %get3A_203 : vector<1x384xf32> to vector<512x384xf32>
    %add3A_205 = arith.addf %dot_general3A_200, %add3A_204 : vector<512x384xf32>
    %add3A_206 = arith.addf %add3A_183, %add3A_205 : vector<512x384xf32>
    %get3A_207 = arith.constant 0 : index
    %get3A_208 = arith.constant 0 : index
    %get3A_209 = vector.load %arg13[%get3A_207, %get3A_208] : memref<1x384xf32, #tpu.memory_space<vmem>>, vector<1x384xf32>
    %get3A_210 = arith.constant 0 : index
    %get3A_211 = arith.constant 0 : index
    %get3A_212 = vector.load %arg14[%get3A_210, %get3A_211] : memref<1x384xf32, #tpu.memory_space<vmem>>, vector<1x384xf32>
    %reduce_sum3A_213 = arith.constant dense<0.000000e+00> : vector<512xf32>
    %reduce_sum3A_214 = vector.multi_reduction <add>, %add3A_206, %reduce_sum3A_213 [1] : vector<512x384xf32> to vector<512xf32>
    %broadcast_in_dim3A_215 = vector.shape_cast %reduce_sum3A_214 : vector<512xf32> to vector<512x1xf32>
    %div3A_216 = arith.constant 3.840000e+02 : f32
    %div3A_217 = vector.broadcast %div3A_216 : f32 to vector<512x1xf32>
    %div3A_218 = arith.divf %broadcast_in_dim3A_215, %div3A_217 : vector<512x1xf32>
    %sub3A_219 = vector.broadcast %div3A_218 : vector<512x1xf32> to vector<512x384xf32>
    %sub3A_220 = arith.subf %add3A_206, %sub3A_219 : vector<512x384xf32>
    %mul3A_221 = arith.mulf %sub3A_220, %sub3A_220 : vector<512x384xf32>
    %reduce_sum3A_222 = arith.constant dense<0.000000e+00> : vector<512xf32>
    %reduce_sum3A_223 = vector.multi_reduction <add>, %mul3A_221, %reduce_sum3A_222 [1] : vector<512x384xf32> to vector<512xf32>
    %broadcast_in_dim3A_224 = vector.shape_cast %reduce_sum3A_223 : vector<512xf32> to vector<512x1xf32>
    %div3A_225 = arith.constant 3.840000e+02 : f32
    %div3A_226 = vector.broadcast %div3A_225 : f32 to vector<512x1xf32>
    %div3A_227 = arith.divf %broadcast_in_dim3A_224, %div3A_226 : vector<512x1xf32>
    %add3A_228 = arith.constant 9.99999974E-6 : f32
    %add3A_229 = vector.broadcast %add3A_228 : f32 to vector<512x1xf32>
    %add3A_230 = arith.addf %div3A_227, %add3A_229 : vector<512x1xf32>
    %rsqrt3A_231 = math.rsqrt %add3A_230 : vector<512x1xf32>
    %mul3A_232 = vector.broadcast %rsqrt3A_231 : vector<512x1xf32> to vector<512x384xf32>
    %mul3A_233 = arith.mulf %sub3A_220, %mul3A_232 : vector<512x384xf32>
    %mul3A_234 = vector.broadcast %get3A_209 : vector<1x384xf32> to vector<512x384xf32>
    %mul3A_235 = arith.mulf %mul3A_233, %mul3A_234 : vector<512x384xf32>
    %add3A_236 = vector.broadcast %get3A_212 : vector<1x384xf32> to vector<512x384xf32>
    %add3A_237 = arith.addf %mul3A_235, %add3A_236 : vector<512x384xf32>
    %swap3A = arith.constant 0 : index
    %swap3A_238 = arith.constant 0 : index
    %swap3A_239 = arith.constant 0 : index
    %swap3A_240 = vector.load %arg15[%swap3A, %swap3A_238, %swap3A_239] : memref<1x512x384xf32, #tpu.memory_space<vmem>>, vector<1x512x384xf32>
    %swap3A_241 = vector.shape_cast %swap3A_240 : vector<1x512x384xf32> to vector<512x384xf32>
    %swap3A_242 = vector.shape_cast %add3A_237 : vector<512x384xf32> to vector<1x512x384xf32>
    tpu.vector_store %arg15[%swap3A, %swap3A_238, %swap3A_239], %swap3A_242 {strides = array<i32>} : memref<1x512x384xf32, #tpu.memory_space<vmem>>, vector<1x512x384xf32>,
    return
  }
  func.func @transform_0(%arg0: i32, %arg1: i32) -> (i32, i32, i32) {
    %c0_i32 = arith.constant 0 : i32
    %c0_i32_0 = arith.constant 0 : i32
    return %arg0, %arg1, %c0_i32 : i32, i32, i32
  }
  func.func @transform_1(%arg0: i32, %arg1: i32) -> (i32, i32, i32) {
    %c0_i32 = arith.constant 0 : i32
    %c0_i32_0 = arith.constant 0 : i32
    return %arg0, %arg1, %c0_i32 : i32, i32, i32
  }
  func.func @transform_2(%arg0: i32, %arg1: i32) -> (i32, i32, i32) {
    %c0_i32 = arith.constant 0 : i32
    %c0_i32_0 = arith.constant 0 : i32
    return %arg0, %arg1, %c0_i32 : i32, i32, i32
  }
  func.func @transform_3(%arg0: i32, %arg1: i32) -> (i32, i32) {
    %c0_i32 = arith.constant 0 : i32
    %c0_i32_0 = arith.constant 0 : i32
    %c0_i32_1 = arith.constant 0 : i32
    return %c0_i32, %c0_i32_0 : i32, i32
  }
  func.func @transform_4(%arg0: i32, %arg1: i32) -> (i32, i32) {
    %c0_i32 = arith.constant 0 : i32
    %c0_i32_0 = arith.constant 0 : i32
    %c0_i32_1 = arith.constant 0 : i32
    return %c0_i32, %c0_i32_0 : i32, i32
  }
  func.func @transform_5(%arg0: i32, %arg1: i32) -> (i32, i32) {
    %c0_i32 = arith.constant 0 : i32
    %c0_i32_0 = arith.constant 0 : i32
    %c0_i32_1 = arith.constant 0 : i32
    return %c0_i32, %c0_i32_0 : i32, i32
  }
  func.func @transform_6(%arg0: i32, %arg1: i32) -> (i32, i32) {
    %c0_i32 = arith.constant 0 : i32
    %c0_i32_0 = arith.constant 0 : i32
    %c0_i32_1 = arith.constant 0 : i32
    return %c0_i32, %c0_i32_0 : i32, i32
  }
  func.func @transform_7(%arg0: i32, %arg1: i32) -> (i32, i32) {
    %c0_i32 = arith.constant 0 : i32
    %c0_i32_0 = arith.constant 0 : i32
    %c0_i32_1 = arith.constant 0 : i32
    return %c0_i32, %c0_i32_0 : i32, i32
  }
  func.func @transform_8(%arg0: i32, %arg1: i32) -> (i32, i32) {
    %c0_i32 = arith.constant 0 : i32
    %c0_i32_0 = arith.constant 0 : i32
    %c0_i32_1 = arith.constant 0 : i32
    return %c0_i32, %c0_i32_0 : i32, i32
  }
  func.func @transform_9(%arg0: i32, %arg1: i32) -> (i32, i32) {
    %c0_i32 = arith.constant 0 : i32
    %c0_i32_0 = arith.constant 0 : i32
    %c0_i32_1 = arith.constant 0 : i32
    return %c0_i32, %c0_i32_0 : i32, i32
  }
  func.func @transform_10(%arg0: i32, %arg1: i32) -> (i32, i32) {
    %c0_i32 = arith.constant 0 : i32
    %c0_i32_0 = arith.constant 0 : i32
    %c0_i32_1 = arith.constant 0 : i32
    return %c0_i32, %c0_i32_0 : i32, i32
  }
  func.func @transform_11(%arg0: i32, %arg1: i32) -> (i32, i32) {
    %c0_i32 = arith.constant 0 : i32
    %c0_i32_0 = arith.constant 0 : i32
    %c0_i32_1 = arith.constant 0 : i32
    return %c0_i32, %c0_i32_0 : i32, i32
  }
  func.func @transform_12(%arg0: i32, %arg1: i32) -> (i32, i32) {
    %c0_i32 = arith.constant 0 : i32
    %c0_i32_0 = arith.constant 0 : i32
    %c0_i32_1 = arith.constant 0 : i32
    return %c0_i32, %c0_i32_0 : i32, i32
  }
  func.func @transform_13(%arg0: i32, %arg1: i32) -> (i32, i32, i32) {
    %c0_i32 = arith.constant 0 : i32
    %c0_i32_0 = arith.constant 0 : i32
    return %arg0, %arg1, %c0_i32 : i32, i32, i32
  }
}

</mosaic_0001>

<sc_bundles>
// kernel: kernel.5.cloned.1.call-start
scs
__scs_entry_jumppad:
0x0: {  	(pc) =	sbr.rel $0x88, $3  }
0x1: {  	(tag) =	ssettag $0x0;
	lr =	simm.s32 $0x1  }
0x2: {  	[smem:$0x3F90] =	sst lr;
	_ =	strace $0xD0000000  }
0x3: {  	_ = 	snop  }
0x4: {  	_ = 	snop  }
0x5: {  	_ = 	snop  }
0x6: {  	_ = 	snop  }
0x7: {  	_ = 	snop  }
__scs_overlays_trampoline_lowered:
0x8: {  	[smem:$0x3F9F] =	sst s0  }
0x9: {  	[smem:$0x3FA0] =	sst s1  }
0xa: {  	[smem:$0x3FA1] =	sst s2  }
0xb: {  	[smem:$0x3FA2] =	sst s3  }
0xc: {  	[smem:$0x3FA3] =	sst s4  }
0xd: {  	[smem:$0x3FA4] =	sst s5  }
0xe: {  	[smem:$0x3FA5] =	sst s6  }
0xf: {  	[smem:$0x3FA6] =	sst s7  }
0x10: {  	[smem:$0x3FA7] =	sst s8  }
0x11: {  	[smem:$0x3FA8] =	sst s9;
	s0 =	simm.s32 @!p0 $0x0  }
0x12: {  	s1 =	sld [smem:$0x3F8E];
	s0 =	simm.s32 @p0 $0x1  }
0x13: {  	[smem:$0x3FA9] =	sst s0;
	s0 =	simm.s32 @!p1 $0x0  }
0x14: {  	s2 =	sld [smem:$0x3F8D];
	s0 =	simm.s32 @p1 $0x1  }
0x15: {  	[smem:$0x3FAA] =	sst s0;
	s0 =	simm.s32 @!p2 $0x0  }
0x16: {  	s3 =	sld [smem:$0x3FDB];
	s0 =	simm.s32 @p2 $0x1  }
0x17: {  	s4 =	simm.s32 $0x1BF5;
	[smem:$0x3FAC] =	sst s0  }
0x18: {  	s0 =	sld [smem:$0x3F8F];
	_ =	swait.ge [sflag:s4], $0x0  }
0x19: {  	s7 =	sld [smem:$0x3F90]  }
0x1a: {  	s8 =	sadd.s32 $0xFFFFE003, lr  }
0x1b: {  	s9 =	sadd.s32 $0xFFFFFEF7, lr;
	s5 =	simm.s32 $0xFFFFFFFF;
	p2 =	slt.u32 s8, $0xFFFFF086  }
0x1c: {  	p1 =	slt.u32 s9, $0xF7A;
	s5 =	simm.s32 @!p2 $0x0  }
0x1d: {  	s5 =	simm.s32 @p1 $0x1;
	p0 =	seq.s32 s7, s2  }
0x1e: {  	s7 =	smul.u32 @!p0 $0xF7A, s2;
	p2 =	seq.s32 @!p0 s5, $0x0  }
0x1f: {  	s9 =	smul.u32 $0xF7A, s1;
	s8 =	simm.s32 @!p0 $0x1BF5;
	p2 =	por !p2, p0  }
0x20: {  	[sflag:s8] =	ssyncset.s32 @!p0 $0xFFFFF086;
	s6 =	sadd.s32 @!p0 s3, s7;
	s7 =	simm.s32 @!p0 $0x108  }
0x21: {  	s3 =	sadd.s32 s3, s9;
	s6 =	sadd.s32 @!p0 $0x88, s6;
	s7 =	simm.s32 @p2 $0x1082  }
0x22: {  	[simem:s7], [sflag:s8] =	dma.local @!p0 [hbm:s6], $0xF7A  }
0x23: {  	s9 =	sor.u32 $0xD0000000, s2;
	s6 =	simm.s32 $0x108;
	_ =	swait.ge @!p0 [sflag:s8], $0x0  }
0x24: {  	s3 =	sadd.s32 $0x88, s3;
	s6 =	simm.s32 @!p1 $0x1082;
	[sflag:s4] =	ssyncset.s32 $0xFFFFF086  }
0x25: {  	[simem:s6], [sflag:s4] =	dma.local [hbm:s3], $0xF7A  }
0x26: {  	[smem:$0x3F90] =	sst s1;
	(tag) =	ssettag s2;
	_ =	strace s9  }
0x27: {  	s1 =	sld [smem:$0x3FA0]  }
0x28: {  	s2 =	sld [smem:$0x3FA1]  }
0x29: {  	s4 =	sld [smem:$0x3FA3]  }
0x2a: {  	p0 =	seq.s32 s5, $0x0;
	s5 =	sld [smem:$0x3FA4]  }
0x2b: {  	s6 =	sld [smem:$0x3FA5]  }
0x2c: {  	s7 =	sld [smem:$0x3FA6]  }
0x2d: {  	s3 =	simm.s32 $0x108;
	s8 =	sld [smem:$0x3FA7]  }
0x2e: {  	s3 =	simm.s32 @!p0 $0x1082;
	s9 =	sld [smem:$0x3FA8]  }
0x2f: {  	lr =	sadd.s32 s0, s3;
	s0 =	sld [smem:$0x3F9F]  }
0x30: {  	s3 =	sld [smem:$0x3FA2]  }
0x31: {  	[smem:$0x3FAB] =	sst s10  }
0x32: {  	s10 =	sld [smem:$0x3FA9];
	_ =	sdelay $0x3  }
0x33: {  	p0 =	seq.s32 s10, $0x1;
	s10 =	sld [smem:$0x3FAB];
	_ =	sdelay $0x3  }
0x34: {  	[smem:$0x3FAB] =	sst s10  }
0x35: {  	s10 =	sld [smem:$0x3FAA];
	_ =	sdelay $0x3  }
0x36: {  	p1 =	seq.s32 s10, $0x1;
	s10 =	sld [smem:$0x3FAB];
	_ =	sdelay $0x3  }
0x37: {  	[smem:$0x3FAB] =	sst s10  }
0x38: {  	s10 =	sld [smem:$0x3FAC]  }
0x39: {  	_ = 	snop;
	(pc) =	sbr.ind lr, $3  }
0x3a: {  	_ = 	snop  }
0x3b: {  	_ = 	snop  }
0x3c: {  	p2 =	seq.s32 s10, $0x1;
	s10 =	sld [smem:$0x3FAB]  }
0x3d: {  	_ =	shalt  }
0x3e: {  	_ =	shalt  }
0x3f: {  	_ =	shalt  }
0x40: {  	_ =	shalt  }
0x41: {  	_ =	shalt  }
0x42: {  	_ =	shalt  }
0x43: {  	_ =	shalt  }
0x44: {  	_ =	shalt  }
0x45: {  	_ =	shalt  }
0x46: {  	_ =	shalt  }
0x47: {  	_ =	shalt  }
0x48: {  	_ =	shalt  }
0x49: {  	_ =	shalt  }
0x4a: {  	_ =	shalt  }
0x4b: {  	_ =	shalt  }
0x4c: {  	_ =	shalt  }
0x4d: {  	_ =	shalt  }
0x4e: {  	_ =	shalt  }
0x4f: {  	_ =	shalt  }
0x50: {  	_ =	shalt  }
0x51: {  	_ =	shalt  }
0x52: {  	_ =	shalt  }
0x53: {  	_ =	shalt  }
0x54: {  	_ =	shalt  }
0x55: {  	_ =	shalt  }
0x56: {  	_ =	shalt  }
0x57: {  	_ =	shalt  }
0x58: {  	_ =	shalt  }
0x59: {  	_ =	shalt  }
0x5a: {  	_ =	shalt  }
0x5b: {  	_ =	shalt  }
0x5c: {  	_ =	shalt  }
0x5d: {  	_ =	shalt  }
0x5e: {  	_ =	shalt  }
0x5f: {  	_ =	shalt  }
0x60: {  	_ =	shalt  }
0x61: {  	_ =	shalt  }
0x62: {  	_ =	shalt  }
0x63: {  	_ =	shalt  }
0x64: {  	_ =	shalt  }
0x65: {  	_ =	shalt  }
0x66: {  	_ =	shalt  }
0x67: {  	_ =	shalt  }
0x68: {  	_ =	shalt  }
0x69: {  	_ =	shalt  }
0x6a: {  	_ =	shalt  }
0x6b: {  	_ =	shalt  }
0x6c: {  	_ =	shalt  }
0x6d: {  	_ =	shalt  }
0x6e: {  	_ =	shalt  }
0x6f: {  	_ =	shalt  }
0x70: {  	_ =	shalt  }
0x71: {  	_ =	shalt  }
0x72: {  	_ =	shalt  }
0x73: {  	_ =	shalt  }
0x74: {  	_ =	shalt  }
0x75: {  	_ =	shalt  }
0x76: {  	_ =	shalt  }
0x77: {  	_ =	shalt  }
0x78: {  	_ =	shalt  }
0x79: {  	_ =	shalt  }
0x7a: {  	_ =	shalt  }
0x7b: {  	_ =	shalt  }
0x7c: {  	_ =	shalt  }
0x7d: {  	_ =	shalt  }
0x7e: {  	_ =	shalt  }
0x7f: {  	_ =	shalt  }
0x80: {  	_ =	shalt  }
0x81: {  	_ =	shalt  }
0x82: {  	_ =	shalt  }
0x83: {  	_ =	shalt  }
0x84: {  	_ =	shalt  }
0x85: {  	_ =	shalt  }
0x86: {  	_ =	shalt  }
0x87: {  	_ =	shalt  }
.Lfunc_end0:
.L_simem_size_0:
called_computation_lowered:
.L_overlay_start_0:
0x88: {  	s2 =	sld [smem:$0x3FD9]  }
0x89: {  	s3 =	sld [smem:$0x3FFE];
	_ =	sdelay $0x1  }
0x8a: {  	s1 =	srdreg.scid  }
0x8b: {  	s0 =	sand.u32 $0x1, s1  }
0x8c: {  	s17 =	sshll.u32 s0, $0xA;
	s2 =	sadd.s32 s3, s2  }
0x8d: {  	s2 =	sadd.s32 s2, s17  }
0x8e: {  	[smem:$0x3FB7] =	sst s2  }
0x8f: {  	_ = 	snop  }
0x90: {  	s2 =	sld [smem:$0x3FD0];
	(tm) =	ssettm $0x1  }
0x91: {  	s18 =	sld [smem:$0x3FFB];
	_ =	sdelay $0x3  }
0x92: {  	_ =	strace s18  }
0x93: {  	s3 =	sld [smem:$0x3FFC];
	_ =	sdelay $0x3  }
0x94: {  	_ =	strace s3  }
0x95: {  	s3 =	sld [smem:$0x3FFD];
	_ =	sdelay $0x3  }
0x96: {  	_ =	strace s3  }
0x97: {  	_ =	strace $0x8FFFFFFF  }
0x98: {  	s19 =	sld [smem:$0x3FDB];
	_ =	sdelay $0x1  }
0x99: {  	s4 =	simm.s32 $_scs_section_size  }
0x9a: {  	s5 =	simm.s32 $_size__tile_overlayer_lowered;
	s6 =	simm.s32 $_tile_overlayer_lowered  }
0x9b: {  	s22 =	simm.s32 $0x1BFF;
	s21 =	sshll.u32 s6, $0x1;
	s3 =	sadd.s32 s4, s19  }
0x9c: {  	s7 =	simm.s32 $0x0;
	s20 =	sshll.u32 s5, $0x1;
	s5 =	sadd.s32 s21, s3  }
0x9d: {  	[timem:s7], [sflag:s22] =	dma.local [hbm:s5], s20  }
0x9e: {  	_ =	swait.ge [sflag:s22], s20  }
0x9f: {  	s4 =	ssub.s32 $0x0, s20;
	[sflag:s22] =	ssyncset.done $0x0  }
0xa0: {  	[sflag:s22] =	ssyncadd.s32 s4;
	_ =	sdelay $0x1  }
0xa1: {  	s23 =	simm.s32 $0x1B8B  }
0xa2: {  	_ =	swait.ge [sflag:s23], $0x1  }
0xa3: {  	[sflag:s23] =	ssyncset.done $0x0  }
0xa4: {  	s25 =	simm.s32 $0x1B8E;
	s24 =	sld [smem:$0x3FFE];
	[sflag:s23] =	ssyncadd.s32 $0xFFFFFFFF  }
0xa5: {  	s26 =	simm.s32 $execute0_lowered;
	[smem:$0x3FD2] =	sst s25  }
0xa6: {  	s5 =	sshll.u32 s26, $0x1;
	_ =	strace $0x80000046;
	[dreg:$0x1] =	wrdreg $0xFFFFFFFF  }
0xa7: {  	s28 =	simm.s32 $_size_execute0_lowered;
	s3 =	sadd.s32 s3, s5;
	[dreg:$0x0] =	wrdreg $0x0  }
0xa8: {  	s5 =	sshll.u32 s28, $0x1;
	[dreg:$0x2] =	wrdreg s3  }
0xa9: {  	[dreg:$0x3] =	wrdreg s5  }
0xaa: {  	[dreg:$0x4] =	wrdreg $0xC0  }
0xab: {  	_ =	task [dreg:s7], $0x5FFFF  }
0xac: {  	[dreg:$0x1] =	wrdreg $0xFFFFFFFF  }
0xad: {  	[dreg:$0x0] =	wrdreg $0x60  }
0xae: {  	[dreg:$0x2] =	wrdreg s2  }
0xaf: {  	[dreg:$0x3] =	wrdreg s24  }
0xb0: {  	[dreg:$0x4] =	wrdreg $0x9  }
0xb1: {  	_ =	task.clear_ibuf [dreg:s7], $0x5FFFF;
	_ =	strace $0x90000046  }
0xb2: {  	s29 =	simm.s32 $0x9;
	_ =	strace $0x80000048  }
0xb3: {  	_ =	swait.ge [sflag:s29], $0x1  }
0xb4: {  	[sflag:s29] =	ssyncadd.s32 $0xFFFFFFFF  }
0xb5: {  	_ =	strace $0x90000048  }
0xb6: {  	_ =	sfence  }
0xb7: {  	s30 =	sld [smem:$0x0];
	_ =	sdelay $0x2  }
0xb8: {  	s31 =	sshll.u32 s1, $0xD;
	s1 =	sshrl.u32 s1, $0x2  }
0xb9: {  	s3 =	sand.u32 $0x4000, s31;
	s1 =	sadd.s32 s1, s30  }
0xba: {  	s0 =	sor.u32 s3, s0;
	s1 =	sshll.u32 s1, $0x11  }
0xbb: {  	s0 =	sor.u32 s1, s0  }
0xbc: {  	s0 =	sadd.s32 $0x8F2B, s0  }
0xbd: {  	[sflag:s0] =	ssyncadd.remote.s32 $0x1  }
0xbe: {  	_ =	sfence.sel $0xFFFF  }
0xbf: {  	[dreg:$0x0] =	wrdreg $0xFFFFFFFF;
	(pc) =	sbr.abs _section_cstart, $3  }
0xc0: {  	[dreg:$0x1] =	wrdreg $0xFFFFFFFF  }
0xc1: {  	_ =	task.clear_ibuf [dreg:s7], $0x2FFFF;
	_ =	strace $0x9FFFFFFF  }
0xc2: {  	(tm) =	ssettm $0x7FFFFFFF  }
0xc3: {  	_ =	shalt  }
tec
execute0_lowered:
.L_overlay_start_1:
0x0: {  	(tag) =	ssettag $0x1  }
0x1: {  	s0 =	srdreg.scid;
	s5 =	stileid.u32  }
0x2: {  	s0 =	sand.u32 $0x1, s0;
	s1 =	smul.u32 $0xC000, s5  }
0x3: {  	s3 =	smul.u32 $0x6000, s0  }
0x4: {  	s2 =	rddreg [dreg:$0x0]  }
0x5: {  	s4 =	rddreg [dreg:$0x1];
	s1 =	sadd.s32 s3, s1;
	s3 =	simm.s32 $0x0  }
0x6: {  	s24 =	simm.s32 $0x1C00;
	[smem:$0x7FF] =	sst s3  }
0x7: {  	s25 =	simm.s32 $0x100;
	_ =	strace $0x80000047;
	[dreg:$0x4] =	wrdreg s24  }
0x8: {  	s26 =	simm.s32 $0x2C00;
	[dreg:$0x5] =	wrdreg s25  }
0x9: {  	s31 =	simm.s32 $0x180;
	[dreg:$0x6] =	wrdreg s26  }
0xa: {  	s6 =	simm.s32 $0x3C00;
	[dreg:$0x7] =	wrdreg s31  }
0xb: {  	s7 =	simm.s32 $0x200;
	[dreg:$0x8] =	wrdreg s6  }
0xc: {  	s8 =	simm.s32 $0x4C00;
	[dreg:$0x9] =	wrdreg s7  }
0xd: {  	s9 =	simm.s32 $0x280;
	[dreg:$0xa] =	wrdreg s8  }
0xe: {  	s10 =	simm.s32 $0x5C00;
	[dreg:$0xb] =	wrdreg s9  }
0xf: {  	s11 =	simm.s32 $0x300;
	[dreg:$0xc] =	wrdreg s10  }
0x10: {  	s12 =	simm.s32 $0x6C00;
	[dreg:$0xd] =	wrdreg s11  }
0x11: {  	s13 =	simm.s32 $0x380;
	s14 =	simm.s32 $0x7C00;
	[dreg:$0xe] =	wrdreg s12  }
0x12: {  	s15 =	simm.s32 $0x400;
	s16 =	simm.s32 $0x8C00;
	[dreg:$0xf] =	wrdreg s13  }
0x13: {  	s17 =	simm.s32 $0x480;
	s19 =	simm.s32 $0x9C00;
	[dreg:$0x10] =	wrdreg s14  }
0x14: {  	s20 =	simm.s32 $0x500;
	s21 =	simm.s32 $0xAC00;
	[dreg:$0x11] =	wrdreg s15  }
0x15: {  	s22 =	simm.s32 $0x580;
	s23 =	simm.s32 $0xBC00;
	[dreg:$0x12] =	wrdreg s16  }
0x16: {  	s28 =	simm.s32 $0xB80;
	s29 =	simm.s32 $0x17C00;
	[dreg:$0x13] =	wrdreg s17  }
0x17: {  	s30 =	simm.s32 $0x1;
	s5 =	smul.u32 $0x30000, s5;
	[dreg:$0x14] =	wrdreg s19  }
0x18: {  	s18 =	ssub.s32 $0x2, s0;
	s1 =	sshrl.u32 s1, $0x3;
	[dreg:$0x15] =	wrdreg s20  }
0x19: {  	s0 =	smul.u32 $0x18000, s0;
	s1 =	sadd.s32 s1, s4;
	[dreg:$0x16] =	wrdreg s21  }
0x1a: {  	s4 =	sadd.s32 s5, s4;
	s6 =	sshrl.u32 s18, $0x1;
	[dreg:$0x17] =	wrdreg s22  }
0x1b: {  	[dreg:$0x18] =	wrdreg s23;
	s24 =	simm.s32 $0x600;
	s25 =	simm.s32 $0xCC00  }
0x1c: {  	s26 =	simm.s32 $0x680;
	s7 =	simm.s32 $0x80;
	s31 =	simm.s32 $0xDC00  }
0x1d: {  	s8 =	simm.s32 $0xC00;
	s9 =	simm.s32 $0x700;
	s10 =	simm.s32 $0xEC00  }
0x1e: {  	s11 =	simm.s32 $0x780;
	s12 =	simm.s32 $0xFC00;
	s13 =	simm.s32 $0x800  }
0x1f: {  	s14 =	simm.s32 $0x10C00;
	s15 =	simm.s32 $0x880;
	s16 =	simm.s32 $0x11C00  }
0x20: {  	s17 =	simm.s32 $0x900;
	s19 =	simm.s32 $0x980;
	s20 =	simm.s32 $0x13C00  }
0x21: {  	s21 =	simm.s32 $0xA00;
	s22 =	simm.s32 $0x14C00;
	[dreg:$0x19] =	wrdreg s24  }
0x22: {  	s23 =	simm.s32 $0xA80;
	s1 =	sadd.s32 $0x22800, s1;
	[dreg:$0x1a] =	wrdreg s25  }
0x23: {  	s5 =	ssub.s32 s18, s6;
	s0 =	sadd.s32 s0, s4;
	[dreg:$0x1b] =	wrdreg s26  }
0x24: {  	s6 =	simm.s32 $0x2;
	[dreg:$0x1c] =	wrdreg s31;
	s18 =	simm.s32 $0x12C00  }
0x25: {  	s24 =	simm.s32 $0x15C00;
	[dreg:$0x3] =	wrdreg s1;
	s5 =	smax.u32 s5, $0x1  }
0x26: {  	s25 =	simm.s32 $0xB00;
	s0 =	sadd.s32 $0x3A800, s0;
	[dreg:$0x1d] =	wrdreg s5  }
0x27: {  	s26 =	simm.s32 $0x16C00;
	s1 =	simm.s32 $0x0;
	[dreg:$0x1e] =	wrdreg s0  }
.LBB2_1:
0x28: {  	s0 =	rddreg [dreg:$0x3]  }
0x29: {  	[dreg:$0x1f] =	wrdreg s1;
	s0 =	sadd.s32 $0x0, s0  }
0x2a: {  	[tilespmem:s3], [sflag:$0x2] =	stream.linear.gather [hbm4b:s0+s3], $0xC00, $0x38;
	[tilespmem:$0x18C00] =	vst v63  }
0x2b: {  	_ =	swait.ge [sflag:s6], $0xC00  }
0x2c: {  	s0 =	rddreg [dreg:$0x5]  }
0x2d: {  	[sflag:s6] =	ssyncset.done $0x0;
	s31 =	rddreg [dreg:$0x4]  }
0x2e: {  	s4 =	rddreg [dreg:$0x6];
	[sflag:s6] =	ssyncadd.s32 $0xFFFFF400  }
0x2f: {  	[tilespmem:s8], [sflag:$0x1] =	stream.indirect.gather [hbm4b:s2+s7], $0x20, s3, s7, $0xb8;
	[tilespmem:$0x18C00] =	vst v63  }
0x30: {  	s5 =	rddreg [dreg:$0x8]  }
0x31: {  	[tilespmem:s31], [sflag:$0x1] =	stream.indirect.gather [hbm4b:s2+s7], $0x20, s7, s7, $0xb8;
	[tilespmem:$0x18C00] =	vst v63  }
0x32: {  	s31 =	rddreg [dreg:$0x7]  }
0x33: {  	[tilespmem:s4], [sflag:$0x1] =	stream.indirect.gather [hbm4b:s2+s7], $0x20, s0, s7, $0xb8;
	[tilespmem:$0x18C00] =	vst v63  }
0x34: {  	s0 =	rddreg [dreg:$0xa]  }
0x35: {  	s4 =	rddreg [dreg:$0x9]  }
0x36: {  	[tilespmem:s5], [sflag:$0x1] =	stream.indirect.gather [hbm4b:s2+s7], $0x20, s31, s7, $0xb8;
	[tilespmem:$0x18C00] =	vst v63  }
0x37: {  	s5 =	rddreg [dreg:$0xc]  }
0x38: {  	s31 =	rddreg [dreg:$0xb]  }
0x39: {  	[tilespmem:s0], [sflag:$0x1] =	stream.indirect.gather [hbm4b:s2+s7], $0x20, s4, s7, $0xb8;
	[tilespmem:$0x18C00] =	vst v63  }
0x3a: {  	s0 =	rddreg [dreg:$0xe]  }
0x3b: {  	s4 =	rddreg [dreg:$0xd]  }
0x3c: {  	[tilespmem:s5], [sflag:$0x1] =	stream.indirect.gather [hbm4b:s2+s7], $0x20, s31, s7, $0xb8;
	[tilespmem:$0x18C00] =	vst v63  }
0x3d: {  	s5 =	rddreg [dreg:$0x10]  }
0x3e: {  	s31 =	rddreg [dreg:$0xf]  }
0x3f: {  	[tilespmem:s0], [sflag:$0x1] =	stream.indirect.gather [hbm4b:s2+s7], $0x20, s4, s7, $0xb8;
	[tilespmem:$0x18C00] =	vst v63  }
0x40: {  	s0 =	rddreg [dreg:$0x12]  }
0x41: {  	s4 =	rddreg [dreg:$0x11]  }
0x42: {  	[tilespmem:s5], [sflag:$0x1] =	stream.indirect.gather [hbm4b:s2+s7], $0x20, s31, s7, $0xb8;
	[tilespmem:$0x18C00] =	vst v63  }
0x43: {  	s5 =	rddreg [dreg:$0x14]  }
0x44: {  	s31 =	rddreg [dreg:$0x13]  }
0x45: {  	[tilespmem:s0], [sflag:$0x1] =	stream.indirect.gather [hbm4b:s2+s7], $0x20, s4, s7, $0xb8;
	[tilespmem:$0x18C00] =	vst v63  }
0x46: {  	s0 =	rddreg [dreg:$0x16]  }
0x47: {  	s4 =	rddreg [dreg:$0x15]  }
0x48: {  	[tilespmem:s5], [sflag:$0x1] =	stream.indirect.gather [hbm4b:s2+s7], $0x20, s31, s7, $0xb8;
	[tilespmem:$0x18C00] =	vst v63  }
0x49: {  	s5 =	rddreg [dreg:$0x18]  }
0x4a: {  	s31 =	rddreg [dreg:$0x17]  }
0x4b: {  	[tilespmem:s0], [sflag:$0x1] =	stream.indirect.gather [hbm4b:s2+s7], $0x20, s4, s7, $0xb8;
	[tilespmem:$0x18C00] =	vst v63  }
0x4c: {  	s0 =	rddreg [dreg:$0x1a]  }
0x4d: {  	s4 =	rddreg [dreg:$0x19]  }
0x4e: {  	[tilespmem:s5], [sflag:$0x1] =	stream.indirect.gather [hbm4b:s2+s7], $0x20, s31, s7, $0xb8;
	[tilespmem:$0x18C00] =	vst v63  }
0x4f: {  	s5 =	rddreg [dreg:$0x1c]  }
0x50: {  	[tilespmem:s0], [sflag:$0x1] =	stream.indirect.gather [hbm4b:s2+s7], $0x20, s4, s7, $0xb8;
	[tilespmem:$0x18C00] =	vst v63  }
0x51: {  	s31 =	rddreg [dreg:$0x1b]  }
0x52: {  	[tilespmem:s5], [sflag:$0x1] =	stream.indirect.gather [hbm4b:s2+s7], $0x20, s31, s7, $0xb8;
	[tilespmem:$0x18C00] =	vst v63  }
0x53: {  	_ = 	snop  }
0x54: {  	[tilespmem:s10], [sflag:$0x1] =	stream.indirect.gather [hbm4b:s2+s7], $0x20, s9, s7, $0xb8;
	[tilespmem:$0x18C00] =	vst v63  }
0x55: {  	_ = 	snop  }
0x56: {  	[tilespmem:s12], [sflag:$0x1] =	stream.indirect.gather [hbm4b:s2+s7], $0x20, s11, s7, $0xb8;
	[tilespmem:$0x18C00] =	vst v63  }
0x57: {  	_ = 	snop  }
0x58: {  	[tilespmem:s14], [sflag:$0x1] =	stream.indirect.gather [hbm4b:s2+s7], $0x20, s13, s7, $0xb8;
	[tilespmem:$0x18C00] =	vst v63  }
0x59: {  	_ = 	snop  }
0x5a: {  	[tilespmem:s16], [sflag:$0x1] =	stream.indirect.gather [hbm4b:s2+s7], $0x20, s15, s7, $0xb8;
	[tilespmem:$0x18C00] =	vst v63  }
0x5b: {  	_ = 	snop  }
0x5c: {  	[tilespmem:s18], [sflag:$0x1] =	stream.indirect.gather [hbm4b:s2+s7], $0x20, s17, s7, $0xb8;
	[tilespmem:$0x18C00] =	vst v63  }
0x5d: {  	_ = 	snop  }
0x5e: {  	[tilespmem:s20], [sflag:$0x1] =	stream.indirect.gather [hbm4b:s2+s7], $0x20, s19, s7, $0xb8;
	[tilespmem:$0x18C00] =	vst v63  }
0x5f: {  	_ = 	snop  }
0x60: {  	[tilespmem:s22], [sflag:$0x1] =	stream.indirect.gather [hbm4b:s2+s7], $0x20, s21, s7, $0xb8;
	[tilespmem:$0x18C00] =	vst v63  }
0x61: {  	_ = 	snop  }
0x62: {  	[tilespmem:s24], [sflag:$0x1] =	stream.indirect.gather [hbm4b:s2+s7], $0x20, s23, s7, $0xb8;
	[tilespmem:$0x18C00] =	vst v63  }
0x63: {  	_ = 	snop  }
0x64: {  	[tilespmem:s26], [sflag:$0x1] =	stream.indirect.gather [hbm4b:s2+s7], $0x20, s25, s7, $0xb8;
	[tilespmem:$0x18C00] =	vst v63  }
0x65: {  	_ = 	snop  }
0x66: {  	[tilespmem:s29], [sflag:$0x1] =	stream.indirect.gather [hbm4b:s2+s7], $0x20, s28, s7, $0xb8;
	[tilespmem:$0x18C00] =	vst v63  }
0x67: {  	_ =	swait.ge [sflag:s30], $0x1000  }
0x68: {  	[sflag:s30] =	ssyncset.done $0x0  }
0x69: {  	[sflag:s30] =	ssyncadd.s32 $0xFFFFF000  }
0x6a: {  	_ =	swait.ge [sflag:s30], $0x1000  }
0x6b: {  	[sflag:s30] =	ssyncset.done $0x0  }
0x6c: {  	[sflag:s30] =	ssyncadd.s32 $0xFFFFF000  }
0x6d: {  	_ =	swait.ge [sflag:s30], $0x1000  }
0x6e: {  	[sflag:s30] =	ssyncset.done $0x0  }
0x6f: {  	[sflag:s30] =	ssyncadd.s32 $0xFFFFF000  }
0x70: {  	_ =	swait.ge [sflag:s30], $0x1000  }
0x71: {  	[sflag:s30] =	ssyncset.done $0x0  }
0x72: {  	[sflag:s30] =	ssyncadd.s32 $0xFFFFF000  }
0x73: {  	_ =	swait.ge [sflag:s30], $0x1000  }
0x74: {  	[sflag:s30] =	ssyncset.done $0x0  }
0x75: {  	[sflag:s30] =	ssyncadd.s32 $0xFFFFF000  }
0x76: {  	_ =	swait.ge [sflag:s30], $0x1000  }
0x77: {  	[sflag:s30] =	ssyncset.done $0x0  }
0x78: {  	[sflag:s30] =	ssyncadd.s32 $0xFFFFF000  }
0x79: {  	_ =	swait.ge [sflag:s30], $0x1000  }
0x7a: {  	[sflag:s30] =	ssyncset.done $0x0  }
0x7b: {  	[sflag:s30] =	ssyncadd.s32 $0xFFFFF000  }
0x7c: {  	_ =	swait.ge [sflag:s30], $0x1000  }
0x7d: {  	[sflag:s30] =	ssyncset.done $0x0  }
0x7e: {  	[sflag:s30] =	ssyncadd.s32 $0xFFFFF000  }
0x7f: {  	_ =	swait.ge [sflag:s30], $0x1000  }
0x80: {  	[sflag:s30] =	ssyncset.done $0x0  }
0x81: {  	[sflag:s30] =	ssyncadd.s32 $0xFFFFF000  }
0x82: {  	_ =	swait.ge [sflag:s30], $0x1000  }
0x83: {  	[sflag:s30] =	ssyncset.done $0x0  }
0x84: {  	[sflag:s30] =	ssyncadd.s32 $0xFFFFF000  }
0x85: {  	_ =	swait.ge [sflag:s30], $0x1000  }
0x86: {  	[sflag:s30] =	ssyncset.done $0x0  }
0x87: {  	[sflag:s30] =	ssyncadd.s32 $0xFFFFF000  }
0x88: {  	_ =	swait.ge [sflag:s30], $0x1000  }
0x89: {  	[sflag:s30] =	ssyncset.done $0x0  }
0x8a: {  	[sflag:s30] =	ssyncadd.s32 $0xFFFFF000  }
0x8b: {  	_ =	swait.ge [sflag:s30], $0x1000  }
0x8c: {  	[sflag:s30] =	ssyncset.done $0x0  }
0x8d: {  	[sflag:s30] =	ssyncadd.s32 $0xFFFFF000  }
0x8e: {  	_ =	swait.ge [sflag:s30], $0x1000  }
0x8f: {  	[sflag:s30] =	ssyncset.done $0x0  }
0x90: {  	[sflag:s30] =	ssyncadd.s32 $0xFFFFF000  }
0x91: {  	_ =	swait.ge [sflag:s30], $0x1000  }
0x92: {  	[sflag:s30] =	ssyncset.done $0x0  }
0x93: {  	[sflag:s30] =	ssyncadd.s32 $0xFFFFF000  }
0x94: {  	_ =	swait.ge [sflag:s30], $0x1000  }
0x95: {  	[sflag:s30] =	ssyncset.done $0x0  }
0x96: {  	[sflag:s30] =	ssyncadd.s32 $0xFFFFF000  }
0x97: {  	_ =	swait.ge [sflag:s30], $0x1000  }
0x98: {  	[sflag:s30] =	ssyncset.done $0x0  }
0x99: {  	[sflag:s30] =	ssyncadd.s32 $0xFFFFF000  }
0x9a: {  	_ =	swait.ge [sflag:s30], $0x1000  }
0x9b: {  	[sflag:s30] =	ssyncset.done $0x0  }
0x9c: {  	[sflag:s30] =	ssyncadd.s32 $0xFFFFF000  }
0x9d: {  	_ =	swait.ge [sflag:s30], $0x1000  }
0x9e: {  	[sflag:s30] =	ssyncset.done $0x0  }
0x9f: {  	[sflag:s30] =	ssyncadd.s32 $0xFFFFF000  }
0xa0: {  	_ =	swait.ge [sflag:s30], $0x1000  }
0xa1: {  	[sflag:s30] =	ssyncset.done $0x0  }
0xa2: {  	[sflag:s30] =	ssyncadd.s32 $0xFFFFF000  }
0xa3: {  	_ =	swait.ge [sflag:s30], $0x1000  }
0xa4: {  	[sflag:s30] =	ssyncset.done $0x0  }
0xa5: {  	[sflag:s30] =	ssyncadd.s32 $0xFFFFF000  }
0xa6: {  	_ =	swait.ge [sflag:s30], $0x1000  }
0xa7: {  	s5 =	rddreg [dreg:$0x1e]  }
0xa8: {  	s0 =	simm.s32 $0x180;
	s1 =	smov.u32 s5  }
.LBB2_2:
0xa9: {  	[sflag:s30] =	ssyncset.done $0x0  }
0xaa: {  	[sflag:s30] =	ssyncadd.s32 $0xFFFFF000  }
0xab: {  	_ =	swait.ge [sflag:s30], $0x1000  }
0xac: {  	[sflag:s30] =	ssyncset.done $0x0  }
0xad: {  	[sflag:s30] =	ssyncadd.s32 $0xFFFFF000  }
0xae: {  	_ =	swait.ge [sflag:s30], $0x1000  }
0xaf: {  	[sflag:s30] =	ssyncset.done $0x0  }
0xb0: {  	[sflag:s30] =	ssyncadd.s32 $0xFFFFF000  }
0xb1: {  	[hbm4b:s5+s3] =	stream.linear.scatter [tilespmem:s8], [sflag:$0x2], $0x18000, $0x38;
	[tilespmem:$0x18C00] =	vst v63  }
0xb2: {  	_ =	swait.ge [sflag:s6], $0x18000  }
0xb3: {  	s4 =	smov.u32 s0;
	s9 =	rddreg [dreg:$0x3];
	[sflag:s6] =	ssyncset.done $0x0  }
0xb4: {  	[sflag:s6] =	ssyncadd.s32 $0xFFFE8000;
	s4 =	sadd.s32 s4, s9  }
0xb5: {  	[tilespmem:s3], [sflag:$0x2] =	stream.linear.gather [hbm4b:s4+s3], $0xC00, $0x38;
	[tilespmem:$0x18C00] =	vst v63  }
0xb6: {  	_ =	swait.ge [sflag:s6], $0xC00  }
0xb7: {  	s4 =	rddreg [dreg:$0x1c]  }
0xb8: {  	s31 =	rddreg [dreg:$0x1a]  }
0xb9: {  	s9 =	rddreg [dreg:$0x18]  }
0xba: {  	s10 =	rddreg [dreg:$0x16]  }
0xbb: {  	s11 =	rddreg [dreg:$0x14]  }
0xbc: {  	s12 =	rddreg [dreg:$0x12]  }
0xbd: {  	s13 =	rddreg [dreg:$0x10]  }
0xbe: {  	s14 =	rddreg [dreg:$0xe]  }
0xbf: {  	s15 =	rddreg [dreg:$0xc]  }
0xc0: {  	s16 =	rddreg [dreg:$0xa]  }
0xc1: {  	[sflag:s6] =	ssyncset.done $0x0;
	s17 =	rddreg [dreg:$0x5]  }
0xc2: {  	s18 =	rddreg [dreg:$0x4];
	[sflag:s6] =	ssyncadd.s32 $0xFFFFF400  }
0xc3: {  	[tilespmem:s8], [sflag:$0x1] =	stream.indirect.gather [hbm4b:s2+s7], $0x20, s3, s7, $0xb8;
	[tilespmem:$0x18C00] =	vst v63  }
0xc4: {  	s19 =	rddreg [dreg:$0x6]  }
0xc5: {  	[tilespmem:s18], [sflag:$0x1] =	stream.indirect.gather [hbm4b:s2+s7], $0x20, s7, s7, $0xb8;
	[tilespmem:$0x18C00] =	vst v63  }
0xc6: {  	s20 =	rddreg [dreg:$0x8]  }
0xc7: {  	[tilespmem:s19], [sflag:$0x1] =	stream.indirect.gather [hbm4b:s2+s7], $0x20, s17, s7, $0xb8;
	[tilespmem:$0x18C00] =	vst v63  }
0xc8: {  	s18 =	rddreg [dreg:$0x7]  }
0xc9: {  	[tilespmem:s20], [sflag:$0x1] =	stream.indirect.gather [hbm4b:s2+s7], $0x20, s18, s7, $0xb8;
	[tilespmem:$0x18C00] =	vst v63  }
0xca: {  	s17 =	rddreg [dreg:$0x9]  }
0xcb: {  	[tilespmem:s16], [sflag:$0x1] =	stream.indirect.gather [hbm4b:s2+s7], $0x20, s17, s7, $0xb8;
	[tilespmem:$0x18C00] =	vst v63  }
0xcc: {  	s18 =	rddreg [dreg:$0xb]  }
0xcd: {  	[tilespmem:s15], [sflag:$0x1] =	stream.indirect.gather [hbm4b:s2+s7], $0x20, s18, s7, $0xb8;
	[tilespmem:$0x18C00] =	vst v63  }
0xce: {  	s16 =	rddreg [dreg:$0xd]  }
0xcf: {  	[tilespmem:s14], [sflag:$0x1] =	stream.indirect.gather [hbm4b:s2+s7], $0x20, s16, s7, $0xb8;
	[tilespmem:$0x18C00] =	vst v63  }
0xd0: {  	s15 =	rddreg [dreg:$0xf]  }
0xd1: {  	[tilespmem:s13], [sflag:$0x1] =	stream.indirect.gather [hbm4b:s2+s7], $0x20, s15, s7, $0xb8;
	[tilespmem:$0x18C00] =	vst v63  }
0xd2: {  	s14 =	rddreg [dreg:$0x11]  }
0xd3: {  	[tilespmem:s12], [sflag:$0x1] =	stream.indirect.gather [hbm4b:s2+s7], $0x20, s14, s7, $0xb8;
	[tilespmem:$0x18C00] =	vst v63  }
0xd4: {  	s13 =	rddreg [dreg:$0x13]  }
0xd5: {  	[tilespmem:s11], [sflag:$0x1] =	stream.indirect.gather [hbm4b:s2+s7], $0x20, s13, s7, $0xb8;
	[tilespmem:$0x18C00] =	vst v63  }
0xd6: {  	s12 =	rddreg [dreg:$0x15]  }
0xd7: {  	[tilespmem:s10], [sflag:$0x1] =	stream.indirect.gather [hbm4b:s2+s7], $0x20, s12, s7, $0xb8;
	[tilespmem:$0x18C00] =	vst v63  }
0xd8: {  	s11 =	rddreg [dreg:$0x17]  }
0xd9: {  	[tilespmem:s9], [sflag:$0x1] =	stream.indirect.gather [hbm4b:s2+s7], $0x20, s11, s7, $0xb8;
	[tilespmem:$0x18C00] =	vst v63  }
0xda: {  	s10 =	rddreg [dreg:$0x19]  }
0xdb: {  	[tilespmem:s31], [sflag:$0x1] =	stream.indirect.gather [hbm4b:s2+s7], $0x20, s10, s7, $0xb8;
	[tilespmem:$0x18C00] =	vst v63  }
0xdc: {  	s9 =	rddreg [dreg:$0x1b]  }
0xdd: {  	[tilespmem:s4], [sflag:$0x1] =	stream.indirect.gather [hbm4b:s2+s7], $0x20, s9, s7, $0xb8;
	[tilespmem:$0x18C00] =	vst v63  }
0xde: {  	s10 =	simm.s32 $0xEC00;
	s9 =	simm.s32 $0x700  }
0xdf: {  	[tilespmem:s10], [sflag:$0x1] =	stream.indirect.gather [hbm4b:s2+s7], $0x20, s9, s7, $0xb8;
	[tilespmem:$0x18C00] =	vst v63  }
0xe0: {  	s12 =	simm.s32 $0xFC00;
	s11 =	simm.s32 $0x780  }
0xe1: {  	[tilespmem:s12], [sflag:$0x1] =	stream.indirect.gather [hbm4b:s2+s7], $0x20, s11, s7, $0xb8;
	[tilespmem:$0x18C00] =	vst v63  }
0xe2: {  	s14 =	simm.s32 $0x10C00;
	s13 =	simm.s32 $0x800  }
0xe3: {  	[tilespmem:s14], [sflag:$0x1] =	stream.indirect.gather [hbm4b:s2+s7], $0x20, s13, s7, $0xb8;
	[tilespmem:$0x18C00] =	vst v63  }
0xe4: {  	s16 =	simm.s32 $0x11C00;
	s15 =	simm.s32 $0x880  }
0xe5: {  	[tilespmem:s16], [sflag:$0x1] =	stream.indirect.gather [hbm4b:s2+s7], $0x20, s15, s7, $0xb8;
	[tilespmem:$0x18C00] =	vst v63  }
0xe6: {  	s17 =	simm.s32 $0x900;
	s18 =	simm.s32 $0x12C00  }
0xe7: {  	[tilespmem:s18], [sflag:$0x1] =	stream.indirect.gather [hbm4b:s2+s7], $0x20, s17, s7, $0xb8;
	[tilespmem:$0x18C00] =	vst v63  }
0xe8: {  	s19 =	simm.s32 $0x980;
	s20 =	simm.s32 $0x13C00  }
0xe9: {  	[tilespmem:s20], [sflag:$0x1] =	stream.indirect.gather [hbm4b:s2+s7], $0x20, s19, s7, $0xb8;
	[tilespmem:$0x18C00] =	vst v63  }
0xea: {  	_ = 	snop  }
0xeb: {  	[tilespmem:s22], [sflag:$0x1] =	stream.indirect.gather [hbm4b:s2+s7], $0x20, s21, s7, $0xb8;
	[tilespmem:$0x18C00] =	vst v63  }
0xec: {  	_ = 	snop  }
0xed: {  	[tilespmem:s24], [sflag:$0x1] =	stream.indirect.gather [hbm4b:s2+s7], $0x20, s23, s7, $0xb8;
	[tilespmem:$0x18C00] =	vst v63  }
0xee: {  	_ = 	snop  }
0xef: {  	[tilespmem:s26], [sflag:$0x1] =	stream.indirect.gather [hbm4b:s2+s7], $0x20, s25, s7, $0xb8;
	[tilespmem:$0x18C00] =	vst v63  }
0xf0: {  	_ = 	snop  }
0xf1: {  	[tilespmem:s29], [sflag:$0x1] =	stream.indirect.gather [hbm4b:s2+s7], $0x20, s28, s7, $0xb8;
	[tilespmem:$0x18C00] =	vst v63  }
0xf2: {  	_ =	swait.ge [sflag:s30], $0x1000  }
0xf3: {  	[sflag:s30] =	ssyncset.done $0x0  }
0xf4: {  	[sflag:s30] =	ssyncadd.s32 $0xFFFFF000  }
0xf5: {  	_ =	swait.ge [sflag:s30], $0x1000  }
0xf6: {  	[sflag:s30] =	ssyncset.done $0x0  }
0xf7: {  	[sflag:s30] =	ssyncadd.s32 $0xFFFFF000  }
0xf8: {  	_ =	swait.ge [sflag:s30], $0x1000  }
0xf9: {  	[sflag:s30] =	ssyncset.done $0x0  }
0xfa: {  	[sflag:s30] =	ssyncadd.s32 $0xFFFFF000  }
0xfb: {  	_ =	swait.ge [sflag:s30], $0x1000  }
0xfc: {  	[sflag:s30] =	ssyncset.done $0x0  }
0xfd: {  	[sflag:s30] =	ssyncadd.s32 $0xFFFFF000  }
0xfe: {  	_ =	swait.ge [sflag:s30], $0x1000  }
0xff: {  	[sflag:s30] =	ssyncset.done $0x0  }
0x100: {  	[sflag:s30] =	ssyncadd.s32 $0xFFFFF000  }
0x101: {  	_ =	swait.ge [sflag:s30], $0x1000  }
0x102: {  	[sflag:s30] =	ssyncset.done $0x0  }
0x103: {  	[sflag:s30] =	ssyncadd.s32 $0xFFFFF000  }
0x104: {  	_ =	swait.ge [sflag:s30], $0x1000  }
0x105: {  	[sflag:s30] =	ssyncset.done $0x0  }
0x106: {  	[sflag:s30] =	ssyncadd.s32 $0xFFFFF000  }
0x107: {  	_ =	swait.ge [sflag:s30], $0x1000  }
0x108: {  	[sflag:s30] =	ssyncset.done $0x0  }
0x109: {  	[sflag:s30] =	ssyncadd.s32 $0xFFFFF000  }
0x10a: {  	_ =	swait.ge [sflag:s30], $0x1000  }
0x10b: {  	[sflag:s30] =	ssyncset.done $0x0  }
0x10c: {  	[sflag:s30] =	ssyncadd.s32 $0xFFFFF000  }
0x10d: {  	_ =	swait.ge [sflag:s30], $0x1000  }
0x10e: {  	[sflag:s30] =	ssyncset.done $0x0  }
0x10f: {  	[sflag:s30] =	ssyncadd.s32 $0xFFFFF000  }
0x110: {  	_ =	swait.ge [sflag:s30], $0x1000  }
0x111: {  	[sflag:s30] =	ssyncset.done $0x0  }
0x112: {  	[sflag:s30] =	ssyncadd.s32 $0xFFFFF000  }
0x113: {  	_ =	swait.ge [sflag:s30], $0x1000  }
0x114: {  	[sflag:s30] =	ssyncset.done $0x0  }
0x115: {  	[sflag:s30] =	ssyncadd.s32 $0xFFFFF000  }
0x116: {  	_ =	swait.ge [sflag:s30], $0x1000  }
0x117: {  	[sflag:s30] =	ssyncset.done $0x0  }
0x118: {  	[sflag:s30] =	ssyncadd.s32 $0xFFFFF000  }
0x119: {  	_ =	swait.ge [sflag:s30], $0x1000  }
0x11a: {  	[sflag:s30] =	ssyncset.done $0x0  }
0x11b: {  	[sflag:s30] =	ssyncadd.s32 $0xFFFFF000  }
0x11c: {  	_ =	swait.ge [sflag:s30], $0x1000  }
0x11d: {  	[sflag:s30] =	ssyncset.done $0x0  }
0x11e: {  	[sflag:s30] =	ssyncadd.s32 $0xFFFFF000  }
0x11f: {  	_ =	swait.ge [sflag:s30], $0x1000  }
0x120: {  	[sflag:s30] =	ssyncset.done $0x0  }
0x121: {  	[sflag:s30] =	ssyncadd.s32 $0xFFFFF000  }
0x122: {  	_ =	swait.ge [sflag:s30], $0x1000  }
0x123: {  	[sflag:s30] =	ssyncset.done $0x0  }
0x124: {  	[sflag:s30] =	ssyncadd.s32 $0xFFFFF000  }
0x125: {  	_ =	swait.ge [sflag:s30], $0x1000  }
0x126: {  	[sflag:s30] =	ssyncset.done $0x0  }
0x127: {  	[sflag:s30] =	ssyncadd.s32 $0xFFFFF000  }
0x128: {  	_ =	swait.ge [sflag:s30], $0x1000  }
0x129: {  	[sflag:s30] =	ssyncset.done $0x0  }
0x12a: {  	[sflag:s30] =	ssyncadd.s32 $0xFFFFF000  }
0x12b: {  	_ =	swait.ge [sflag:s30], $0x1000  }
0x12c: {  	p0 =	sne.s32 s0, $0xA80;
	[sflag:s30] =	ssyncset.done $0x0  }
.Ltmp0:
0x12d: {  	[sflag:s30] =	ssyncadd.s32 $0xFFFFF000;
	(pc) =	sbr.rel @p0 .LBB2_2-.Ltmp0, $4  }
0x12e: {  	_ =	swait.ge [sflag:s30], $0x1000  }
0x12f: {  	[sflag:s30] =	ssyncset.done $0x0  }
0x130: {  	s1 =	sadd.s32 $0x3000, s1;
	[sflag:s30] =	ssyncadd.s32 $0xFFFFF000  }
0x131: {  	s0 =	sadd.s32 $0x180, s0;
	s5 =	smov.u32 s1;
	_ =	swait.ge [sflag:s30], $0x1000  }
0x132: {  	[sflag:s30] =	ssyncset.done $0x0  }
0x133: {  	[sflag:s30] =	ssyncadd.s32 $0xFFFFF000  }
0x134: {  	_ =	swait.ge [sflag:s30], $0x1000  }
0x135: {  	[sflag:s30] =	ssyncset.done $0x0  }
0x136: {  	[sflag:s30] =	ssyncadd.s32 $0xFFFFF000  }
0x137: {  	_ =	swait.ge [sflag:s30], $0x1000  }
0x138: {  	[sflag:s30] =	ssyncset.done $0x0  }
0x139: {  	[sflag:s30] =	ssyncadd.s32 $0xFFFFF000  }
0x13a: {  	[hbm4b:s5+s3] =	stream.linear.scatter [tilespmem:s8], [sflag:$0x2], $0x18000, $0x38;
	[tilespmem:$0x18C00] =	vst v63  }
0x13b: {  	_ =	swait.ge [sflag:s6], $0x18000  }
0x13c: {  	s1 =	rddreg [dreg:$0x1f]  }
0x13d: {  	s0 =	rddreg [dreg:$0x1d];
	s1 =	sadd.s32 $0x1, s1  }
0x13e: {  	p0 =	sne.s32 s1, s0  }
.Ltmp1:
0x13f: {  	_ = 	snop;
	(pc) =	sbr.rel @p0 .LBB2_1-.Ltmp1, $3  }
0x140: {  	_ =	sdelay $0x1  }
0x141: {  	[sflag:s6] =	ssyncset.done $0x0  }
0x142: {  	[sflag:s6] =	ssyncadd.s32 $0xFFFE8000  }
0x143: {  	_ =	sfence.sel $0x180000  }
0x144: {  	[bflag:$0x0] =	sbarrier.arrive $0xFFFF  }
0x145: {  	_ =	strace $0x90000047  }
0x146: {  	s0 =	stileid.u32;
	[bflag:$0x2] =	sbarrier.arrive $0xFFFF  }
0x147: {  	p0 =	sne.s32 s0, $0x0;
	s0 =	rddreg [dreg:$0x2]  }
0x148: {  	s0 =	sadd.s32 @!p0 $0x100000, s0  }
0x149: {  	[sflag:s0] =	ssyncadd.tile.s32 @!p0 $0x1;
	_ =	shalt  }
.Lfunc_end2:
_tile_overlayer_lowered:
.L_overlay_start_2:
0x14a: {  	(tag) =	ssettag $0x2  }
0x14b: {  	s0 =	rddreg [dreg:$0x0];
	s2 =	stileid.u32  }
0x14c: {  	s1 =	rddreg [dreg:$0x1];
	p0 =	sne.s32 s2, $0x0  }
0x14d: {  	s3 =	rddreg [dreg:$0x2];
	[bflag:$0x3] =	sbarrier.arrive $0xFFFF;
	s2 =	simm.s32 @!p0 $0x1C02  }
0x14e: {  	[timem:s3], [sflag:s2] =	dma.local @!p0 [hbm:s0], s1  }
0x14f: {  	s0 =	simm.s32 @!p0 $0x2  }
0x150: {  	_ =	swait.ge @!p0 [sflag:s0], s1  }
0x151: {  	s1 =	ssub.s32 @!p0 $0x0, s1;
	[sflag:s0] =	ssyncset.done @!p0 $0x0  }
0x152: {  	[sflag:s0] =	ssyncadd.s32 @!p0 s1  }
0x153: {  	[bflag:$0x3] =	sbarrier.arrive $0xFFFF  }
0x154: {  	_ =	shalt  }

</sc_bundles>
